<compile_context>
chip_gen: v7x
topology: tpu7x:2x2x1
jax: 0.10.2.dev20260603
libtpu: 0.0.44.dev20260713+nightly
codegen_flags: <defaults>
</compile_context>

<pallas_src>
import functools

import jax
import jax.numpy as jnp
from jax import lax
from jax.experimental import pallas as pl
from jax.experimental.pallas import tpu as pltpu
from jax.experimental.pallas import tpu_sc as plsc

N_NODES = 10000
N_EDGES = 320000
F_IN = 128
F_HID = 512

NC = 2
NS = 16
NW = NC * NS
CHUNK = 128
CPW = 80
EW = CPW * CHUNK
NSLOT = 4
CPW_P0 = 120
CPW_P1 = 2 * CPW - CPW_P0
E_PAD = EW * NW
N_PAD = 10240
RPS = N_PAD // NS

BLK = 1024
GRID = N_PAD // BLK


_mesh = plsc.VectorSubcoreMesh(core_axis_name="c", subcore_axis_name="s")


def _f32(shape):
    return jax.ShapeDtypeStruct(shape, jnp.float32)



def _degrees(src, dst, zrows, ones_rows):

    @functools.partial(
        pl.kernel,
        out_type=[_f32((NC, N_PAD, F_IN)), _f32((NC, N_PAD, F_IN))],
        mesh=_mesh,
        scratch_types=[
            pltpu.VMEM_SHARED((N_PAD, F_IN), jnp.float32),
            pltpu.VMEM((CHUNK, F_IN), jnp.float32),
            pltpu.VMEM((CPW, CHUNK), jnp.int32),
            pltpu.VMEM((CPW, CHUNK), jnp.int32),
            pltpu.SemaphoreType.DMA,
        ],
    )
    def k(src_h, dst_h, z_h, ones_h, dego_h, degi_h, acc_sh, ones_v, sidx2,
          didx2, sem):
        c = lax.axis_index("c")
        s = lax.axis_index("s")
        cbase = (c * NS + s) * CPW
        rbase = s * RPS
        pltpu.sync_copy(ones_h, ones_v)
        pltpu.sync_copy(src_h.at[pl.ds(cbase, CPW)], sidx2)
        pltpu.sync_copy(dst_h.at[pl.ds(cbase, CPW)], didx2)
        for idx2, out_ref in ((sidx2, dego_h), (didx2, degi_h)):
            pltpu.sync_copy(z_h, acc_sh.at[pl.ds(rbase, RPS)])
            plsc.subcore_barrier()

            @pl.loop(0, CPW)
            def _(j, idx2=idx2):
                pltpu.sync_copy(ones_v, acc_sh.at[idx2.at[j]], add=True)

            plsc.subcore_barrier()
            pltpu.sync_copy(acc_sh.at[pl.ds(rbase, RPS)],
                            out_ref.at[c, pl.ds(rbase, RPS)])

    return k(src, dst, zrows, ones_rows)


def _propagate(table, src, dst, zrows):

    @functools.partial(
        pl.kernel,
        out_type=_f32((NC, N_PAD, F_IN)),
        mesh=_mesh,
        scratch_types=(
            [pltpu.VMEM_SHARED((N_PAD, F_IN), jnp.float32)]
            + [pltpu.VMEM((CHUNK, F_IN), jnp.float32)] * 2
            + [pltpu.VMEM((CPW_P0, CHUNK), jnp.int32)]
            + [pltpu.VMEM((1, CHUNK), jnp.int32)] * 2
            + [pltpu.SemaphoreType.DMA] * 6
        ),
    )
    def k(tab_h, src_h, dst_h, z_h, out_h, acc_sh, r0, r1, didx2, s0, s1,
          sg0, sg1, ss0, ss1, si0, si1):
        rows = (r0, r1)
        sbuf = (s0, s1)
        sg = (sg0, sg1)
        ss = (ss0, ss1)
        si = (si0, si1)
        c = lax.axis_index("c")
        s = lax.axis_index("s")
        cbase = jnp.where(c == 0, s * CPW_P0, NS * CPW_P0 + s * CPW_P1)
        cpw = jnp.where(c == 0, CPW_P0, CPW_P1)
        rbase = s * RPS

        @pl.when(c == 0)
        def _():
            pltpu.sync_copy(dst_h.at[pl.ds(cbase, CPW_P0)],
                            didx2.at[pl.ds(0, CPW_P0)])

        @pl.when(c == 1)
        def _():
            pltpu.sync_copy(dst_h.at[pl.ds(cbase, CPW_P1)],
                            didx2.at[pl.ds(0, CPW_P1)])

        pltpu.sync_copy(src_h.at[pl.ds(cbase, 1)], sbuf[0])
        pltpu.async_copy(tab_h.at[sbuf[0].at[0]], rows[0], sg[0])
        pltpu.async_copy(src_h.at[pl.ds(cbase + 1, 1)], sbuf[1], si[1])
        pltpu.sync_copy(z_h, acc_sh.at[pl.ds(rbase, RPS)])
        plsc.subcore_barrier()

        @pl.loop(0, cpw // 2)
        def _(g):
            for b in range(2):
                j = 2 * g + b
                o = 1 - b

                @pl.when(j > 0)
                def _(b=b, j=j, o=o):
                    pltpu.make_async_copy(rows[o], acc_sh.at[didx2.at[0]],
                                          ss[o]).wait()

                @pl.when(j + 1 < cpw)
                def _(b=b, j=j, o=o):
                    pltpu.make_async_copy(src_h.at[pl.ds(cbase, 1)], sbuf[o],
                                          si[o]).wait()
                    pltpu.async_copy(tab_h.at[sbuf[o].at[0]], rows[o], sg[o])

                pltpu.make_async_copy(tab_h.at[sbuf[b].at[0]], rows[b],
                                      sg[b]).wait()
                pltpu.async_copy(rows[b], acc_sh.at[didx2.at[j]], ss[b],
                                 add=True)

                @pl.when(j + 2 < cpw)
                def _(b=b, j=j):
                    pltpu.async_copy(src_h.at[pl.ds(cbase + j + 2, 1)], sbuf[b],
                                     si[b])

        pltpu.make_async_copy(rows[1], acc_sh.at[didx2.at[0]], ss[1]).wait()
        plsc.subcore_barrier()
        pltpu.sync_copy(acc_sh.at[pl.ds(rbase, RPS)],
                        out_h.at[c, pl.ds(rbase, RPS)])

    return k(table, src, dst, zrows)



def _norm_from_deg(deg):
    return jnp.where(deg > 0, lax.rsqrt(jnp.maximum(deg, 1.0)), 0.0)


def _norm_h0_body(x_ref, dego_ref, degi_ref, h0_ref, ns_ref, nd_ref):
    deg_o = dego_ref[0] + dego_ref[1]
    deg_i = degi_ref[0] + degi_ref[1]
    row = lax.broadcasted_iota(jnp.int32, (N_PAD, 1), 0)
    valid = (row < N_NODES).astype(jnp.float32)
    ns = _norm_from_deg(deg_o) * valid
    nd = _norm_from_deg(deg_i) * valid
    ns_ref[...] = ns
    nd_ref[...] = nd
    h0_ref[...] = x_ref[...] * ns


def _norm_h0(x_pad, dego, degi):
    return pl.pallas_call(
        _norm_h0_body,
        out_shape=[_f32((N_PAD, F_IN)), _f32((N_PAD, 1)), _f32((N_PAD, 1))],
    )(x_pad, dego, degi)


def _mm_body(p_ref, ns_ref, nd_ref, w1_ref, b1_ref, w2_ref, g_ref):
    p = (p_ref[0] + p_ref[1]) * nd_ref[...]
    h1 = jnp.dot(p, w1_ref[...], preferred_element_type=jnp.float32,
                 precision=lax.Precision.HIGHEST)
    h1 = jnp.maximum(h1 + b1_ref[...], 0.0) * ns_ref[...]
    g_ref[...] = jnp.dot(h1, w2_ref[...], preferred_element_type=jnp.float32,
                         precision=lax.Precision.HIGHEST)


def _mm(p1, ns, nd, W1, b1, W2):
    return pl.pallas_call(
        _mm_body,
        grid=(GRID,),
        in_specs=[
            pl.BlockSpec((NC, BLK, F_IN), lambda i: (0, i, 0)),
            pl.BlockSpec((BLK, 1), lambda i: (i, 0)),
            pl.BlockSpec((BLK, 1), lambda i: (i, 0)),
            pl.BlockSpec((F_IN, F_HID), lambda i: (0, 0)),
            pl.BlockSpec((1, F_HID), lambda i: (0, 0)),
            pl.BlockSpec((F_HID, F_IN), lambda i: (0, 0)),
        ],
        out_specs=pl.BlockSpec((BLK, F_IN), lambda i: (i, 0)),
        out_shape=_f32((N_PAD, F_IN)),
    )(p1, ns, nd, W1, b1, W2)


def _fin_body(q_ref, nd_ref, b2_ref, o_ref):
    o_ref[...] = (q_ref[0] + q_ref[1]) * nd_ref[...] + b2_ref[...]


def _fin(p2, nd, b2):
    return pl.pallas_call(
        _fin_body,
        grid=(GRID,),
        in_specs=[
            pl.BlockSpec((NC, BLK, F_IN), lambda i: (0, i, 0)),
            pl.BlockSpec((BLK, 1), lambda i: (i, 0)),
            pl.BlockSpec((1, F_IN), lambda i: (0, 0)),
        ],
        out_specs=pl.BlockSpec((BLK, F_IN), lambda i: (i, 0)),
        out_shape=_f32((N_PAD, F_IN)),
    )(p2, nd, b2)



@jax.jit
def kernel(x, edge_index, W1, b1, W2, b2):
    src = edge_index[0].astype(jnp.int32)
    dst = edge_index[1].astype(jnp.int32)
    pad = jnp.full((E_PAD - N_EDGES,), N_NODES, jnp.int32)
    src_p = jnp.concatenate([src, pad]).reshape(NW * CPW, CHUNK)
    dst_p = jnp.concatenate([dst, pad]).reshape(NW * CPW, CHUNK)
    x_p = jnp.pad(x, ((0, N_PAD - N_NODES), (0, 0)))

    ones_rows = jnp.ones((CHUNK, F_IN), jnp.float32)
    zfeat = jnp.zeros((RPS, F_IN), jnp.float32)

    dego, degi = _degrees(src_p, dst_p, zfeat, ones_rows)
    h0, ns, nd = _norm_h0(x_p, dego[:, :, 0:1], degi[:, :, 0:1])
    p1 = _propagate(h0, src_p, dst_p, zfeat)
    g = _mm(p1, ns, nd, W1, b1.reshape(1, F_HID), W2)
    p2 = _propagate(g, src_p, dst_p, zfeat)
    out = _fin(p2, nd, b2.reshape(1, F_IN))
    return out[:N_NODES]

# --- scband reference (transcript-rebuilt; emitter-appended) ---
"""Pipeline reference for scband-gcnfeedforward-layer-23356032156210 (READ-ONLY COPY).

The authoritative reference and input builder live on the scoring server;
editing this copy changes nothing except your own understanding.
"""

import jax, jax.numpy as jnp
import numpy as np

N_NODES = 10000
N_EDGES = 320000
IN_FEATS = 128
HIDDEN = 512


def _graph_conv(x, src, dst, n_nodes, W, b):
    # DGL GraphConv with norm='both':
    # out = D_in^{-1/2} A (D_out^{-1/2} x) W + b
    deg_out = jnp.bincount(src, length=n_nodes).astype(x.dtype)
    deg_in = jnp.bincount(dst, length=n_nodes).astype(x.dtype)
    norm_src = jnp.where(deg_out > 0, jax.lax.rsqrt(jnp.maximum(deg_out, 1.0)), 0.0)
    norm_dst = jnp.where(deg_in > 0, jax.lax.rsqrt(jnp.maximum(deg_in, 1.0)), 0.0)
    h = x * norm_src[:, None]
    msgs = jnp.take(h, src, axis=0)
    agg = jax.ops.segment_sum(msgs, dst, num_segments=n_nodes)
    agg = agg * norm_dst[:, None]
    return agg @ W + b


def setup_inputs(seed: int = 0) -> dict:
    key = jax.random.key(seed)
    k_x, k_e, k_w1, k_b1, k_w2, k_b2 = jax.random.split(key, 6)
    x = jax.random.normal(k_x, (N_NODES, IN_FEATS), dtype=jnp.float32)
    edge_index = jax.random.randint(k_e, (2, N_EDGES), 0, N_NODES, dtype=jnp.int64)
    glorot1 = float(np.sqrt(6.0 / (IN_FEATS + HIDDEN)))
    glorot2 = float(np.sqrt(6.0 / (HIDDEN + IN_FEATS)))
    W1 = jax.random.uniform(k_w1, (IN_FEATS, HIDDEN), dtype=jnp.float32, minval=-glorot1, maxval=glorot1)
    b1 = jnp.zeros((HIDDEN,), dtype=jnp.float32)
    W2 = jax.random.uniform(k_w2, (HIDDEN, IN_FEATS), dtype=jnp.float32, minval=-glorot2, maxval=glorot2)
    b2 = jnp.zeros((IN_FEATS,), dtype=jnp.float32)
    return {"x": x, "edge_index": edge_index, "W1": W1, "b1": b1, "W2": W2, "b2": b2}


def reference(x, edge_index, W1, b1, W2, b2):
    src = edge_index[0]
    dst = edge_index[1]
    h = _graph_conv(x, src, dst, N_NODES, W1, b1)
    h = jax.nn.relu(h)
    # dropout is identity in eval/reference mode
    out = _graph_conv(h, src, dst, N_NODES, W2, b2)
    return out

if __name__ == "__main__":
    import jax
    _d = setup_inputs()
    print(jax.jit(kernel)(*tuple(_d.values())))

</pallas_src>

<mosaic_0001>
#map = affine_map<(d0, d1) -> (0, 0)>
#map1 = affine_map<(d0, d1) -> (0, 0, 0)>
module attributes {stable_mosaic.version = 14 : i64} {
  func.func @k(%arg0: i32, %arg1: i32, %arg2: memref<2560x128xi32, #tpu.memory_space<hbm>>, %arg3: memref<2560x128xi32, #tpu.memory_space<hbm>>, %arg4: memref<640x128xf32, #tpu.memory_space<hbm>>, %arg5: memref<128x128xf32, #tpu.memory_space<hbm>>, %arg6: memref<2x10240x128xf32, #tpu.memory_space<hbm>>, %arg7: memref<2x10240x128xf32, #tpu.memory_space<hbm>>, %arg8: memref<10240x128xf32, #tpu.memory_space<vmem_shared>>, %arg9: memref<128x128xf32, #tpu.memory_space<vmem>>, %arg10: memref<80x128xi32, #tpu.memory_space<vmem>>, %arg11: memref<80x128xi32, #tpu.memory_space<vmem>>, %arg12: memref<!tpu.dma_semaphore, #tpu.memory_space<semaphore_mem>>) attributes {dimension_semantics = [#tpu.dimension_semantics<core_parallel>, #tpu.dimension_semantics<subcore_parallel>], iteration_bounds = array<i64: 2, 16>, scalar_prefetch = 0 : i64, scratch_operands = 5 : i64, tpu.core_type = #tpu.core_type<sc_vector_subcore>, window_params = [{transform_indices = #map}, {transform_indices = #map}, {transform_indices = #map}, {transform_indices = #map}, {transform_indices = #map1}, {transform_indices = #map1}]} {
    %mul3A = arith.constant 16 : i32
    %mul3A_0 = arith.muli %arg0, %mul3A : i32
    %add3A = arith.addi %mul3A_0, %arg1 : i32
    %mul3A_1 = arith.constant 80 : i32
    %mul3A_2 = arith.muli %add3A, %mul3A_1 : i32
    %mul3A_3 = arith.constant 640 : i32
    %mul3A_4 = arith.muli %arg1, %mul3A_3 : i32
    "tpu.region"() ({
      %run_scoped3A = tpu.sem_alloc : memref<!tpu.dma_semaphore, #tpu.memory_space<semaphore_mem>>
      tpu.enqueue_dma source(%arg5 : memref<128x128xf32, #tpu.memory_space<hbm>>) target(%arg9 : memref<128x128xf32, #tpu.memory_space<vmem>>) target_semaphore(%run_scoped3A : memref<!tpu.dma_semaphore, #tpu.memory_space<semaphore_mem>>)
      tpu.wait_dma2 semaphore(%run_scoped3A : memref<!tpu.dma_semaphore, #tpu.memory_space<semaphore_mem>>) src(%arg5 : memref<128x128xf32, #tpu.memory_space<hbm>>) dst(%arg9 : memref<128x128xf32, #tpu.memory_space<vmem>>)
      tpu.yield
    }) : () -> ()
    "tpu.region"() ({
      %run_scoped3A = tpu.sem_alloc : memref<!tpu.dma_semaphore, #tpu.memory_space<semaphore_mem>>
      %dma_start3A = arith.constant 0 : i32
      %dma_start3A_17 = tpu.memref_slice %arg2[%mul3A_2, %dma_start3A] : memref<2560x128xi32, #tpu.memory_space<hbm>> -> memref<80x128xi32, #tpu.memory_space<hbm>>
      %dma_start3A_18 = arith.constant 0 : i32
      %dma_start3A_19 = tpu.memref_slice %arg2[%mul3A_2, %dma_start3A_18] : memref<2560x128xi32, #tpu.memory_space<hbm>> -> memref<80x128xi32, #tpu.memory_space<hbm>>
      tpu.enqueue_dma source(%dma_start3A_19 : memref<80x128xi32, #tpu.memory_space<hbm>>) target(%arg10 : memref<80x128xi32, #tpu.memory_space<vmem>>) target_semaphore(%run_scoped3A : memref<!tpu.dma_semaphore, #tpu.memory_space<semaphore_mem>>)
      %dma_wait3A = arith.constant 0 : i32
      %dma_wait3A_20 = tpu.memref_slice %arg2[%mul3A_2, %dma_wait3A] : memref<2560x128xi32, #tpu.memory_space<hbm>> -> memref<80x128xi32, #tpu.memory_space<hbm>>
      %dma_wait3A_21 = arith.constant 0 : i32
      %dma_wait3A_22 = tpu.memref_slice %arg2[%mul3A_2, %dma_wait3A_21] : memref<2560x128xi32, #tpu.memory_space<hbm>> -> memref<80x128xi32, #tpu.memory_space<hbm>>
      tpu.wait_dma2 semaphore(%run_scoped3A : memref<!tpu.dma_semaphore, #tpu.memory_space<semaphore_mem>>) src(%dma_wait3A_22 : memref<80x128xi32, #tpu.memory_space<hbm>>) dst(%arg10 : memref<80x128xi32, #tpu.memory_space<vmem>>)
      tpu.yield
    }) : () -> ()
    "tpu.region"() ({
      %run_scoped3A = tpu.sem_alloc : memref<!tpu.dma_semaphore, #tpu.memory_space<semaphore_mem>>
      %dma_start3A = arith.constant 0 : i32
      %dma_start3A_17 = tpu.memref_slice %arg3[%mul3A_2, %dma_start3A] : memref<2560x128xi32, #tpu.memory_space<hbm>> -> memref<80x128xi32, #tpu.memory_space<hbm>>
      %dma_start3A_18 = arith.constant 0 : i32
      %dma_start3A_19 = tpu.memref_slice %arg3[%mul3A_2, %dma_start3A_18] : memref<2560x128xi32, #tpu.memory_space<hbm>> -> memref<80x128xi32, #tpu.memory_space<hbm>>
      tpu.enqueue_dma source(%dma_start3A_19 : memref<80x128xi32, #tpu.memory_space<hbm>>) target(%arg11 : memref<80x128xi32, #tpu.memory_space<vmem>>) target_semaphore(%run_scoped3A : memref<!tpu.dma_semaphore, #tpu.memory_space<semaphore_mem>>)
      %dma_wait3A = arith.constant 0 : i32
      %dma_wait3A_20 = tpu.memref_slice %arg3[%mul3A_2, %dma_wait3A] : memref<2560x128xi32, #tpu.memory_space<hbm>> -> memref<80x128xi32, #tpu.memory_space<hbm>>
      %dma_wait3A_21 = arith.constant 0 : i32
      %dma_wait3A_22 = tpu.memref_slice %arg3[%mul3A_2, %dma_wait3A_21] : memref<2560x128xi32, #tpu.memory_space<hbm>> -> memref<80x128xi32, #tpu.memory_space<hbm>>
      tpu.wait_dma2 semaphore(%run_scoped3A : memref<!tpu.dma_semaphore, #tpu.memory_space<semaphore_mem>>) src(%dma_wait3A_22 : memref<80x128xi32, #tpu.memory_space<hbm>>) dst(%arg11 : memref<80x128xi32, #tpu.memory_space<vmem>>)
      tpu.yield
    }) : () -> ()
    "tpu.region"() ({
      %run_scoped3A = tpu.sem_alloc : memref<!tpu.dma_semaphore, #tpu.memory_space<semaphore_mem>>
      %dma_start3A = arith.constant 0 : i32
      %dma_start3A_17 = tpu.memref_slice %arg8[%mul3A_4, %dma_start3A] : memref<10240x128xf32, #tpu.memory_space<vmem_shared>> -> memref<640x128xf32, #tpu.memory_space<vmem_shared>>
      tpu.enqueue_dma source(%arg4 : memref<640x128xf32, #tpu.memory_space<hbm>>) target(%dma_start3A_17 : memref<640x128xf32, #tpu.memory_space<vmem_shared>>) target_semaphore(%run_scoped3A : memref<!tpu.dma_semaphore, #tpu.memory_space<semaphore_mem>>)
      %dma_wait3A = arith.constant 0 : i32
      %dma_wait3A_18 = tpu.memref_slice %arg8[%mul3A_4, %dma_wait3A] : memref<10240x128xf32, #tpu.memory_space<vmem_shared>> -> memref<640x128xf32, #tpu.memory_space<vmem_shared>>
      tpu.wait_dma2 semaphore(%run_scoped3A : memref<!tpu.dma_semaphore, #tpu.memory_space<semaphore_mem>>) src(%arg4 : memref<640x128xf32, #tpu.memory_space<hbm>>) dst(%dma_wait3A_18 : memref<640x128xf32, #tpu.memory_space<vmem_shared>>)
      tpu.yield
    }) : () -> ()
    %barrier3A = arith.constant 0 : index
    tpu.barrier barrier_id(%barrier3A)
    %scan3A = arith.constant 0 : i32
    %scan3A_5 = arith.constant 80 : i32
    %scan3A_6 = arith.addi %scan3A, %scan3A_5 : i32
    %scan3A_7 = arith.constant 1 : i32
    scf.for %scan3A_17 = %scan3A to %scan3A_6 step %scan3A_7  : i32 {
      %mul3A_18 = arith.constant 1 : i32
      %mul3A_19 = arith.muli %scan3A_17, %mul3A_18 : i32
      %add3A_20 = arith.constant 0 : i32
      %add3A_21 = arith.addi %add3A_20, %mul3A_19 : i32
      "tpu.region"() ({
        %run_scoped3A = tpu.sem_alloc : memref<!tpu.dma_semaphore, #tpu.memory_space<semaphore_mem>>
        %dma_start3A = arith.constant 0 : i32
        %dma_start3A_22 = tpu.memref_slice %arg10[%add3A_21, %dma_start3A] : memref<80x128xi32, #tpu.memory_space<vmem>> -> memref<1x128xi32, #tpu.memory_space<vmem>>
        %dma_start3A_23 = tpu.memref_squeeze %dma_start3A_22 : memref<1x128xi32, #tpu.memory_space<vmem>> -> memref<128xi32, #tpu.memory_space<vmem>>
        %dma_start3A_24 = arith.constant 0 : i32
        %dma_start3A_25 = arith.constant 0 : i32
        %dma_start3A_26 = tpu.memref_slice %arg8[%dma_start3A_24, %dma_start3A_25] : memref<10240x128xf32, #tpu.memory_space<vmem_shared>> -> memref<10240x128xf32, #tpu.memory_space<vmem_shared>>
        tpu.enqueue_indirect_dma source(%arg9 : memref<128x128xf32, #tpu.memory_space<vmem>>) target(%dma_start3A_26 : memref<10240x128xf32, #tpu.memory_space<vmem_shared>>) offsets(%dma_start3A_23 : memref<128xi32, #tpu.memory_space<vmem>>) semaphore(%run_scoped3A : memref<!tpu.dma_semaphore, #tpu.memory_space<semaphore_mem>>) {add = true}
        %dma_wait3A = arith.constant 0 : i32
        %dma_wait3A_27 = tpu.memref_slice %arg10[%add3A_21, %dma_wait3A] : memref<80x128xi32, #tpu.memory_space<vmem>> -> memref<1x128xi32, #tpu.memory_space<vmem>>
        %dma_wait3A_28 = tpu.memref_squeeze %dma_wait3A_27 : memref<1x128xi32, #tpu.memory_space<vmem>> -> memref<128xi32, #tpu.memory_space<vmem>>
        %dma_wait3A_29 = arith.constant 0 : i32
        %dma_wait3A_30 = arith.constant 0 : i32
        %dma_wait3A_31 = tpu.memref_slice %arg8[%dma_wait3A_29, %dma_wait3A_30] : memref<10240x128xf32, #tpu.memory_space<vmem_shared>> -> memref<10240x128xf32, #tpu.memory_space<vmem_shared>>
        tpu.wait_indirect_dma semaphore(%run_scoped3A : memref<!tpu.dma_semaphore, #tpu.memory_space<semaphore_mem>>) src(%arg9 : memref<128x128xf32, #tpu.memory_space<vmem>>) dst(%dma_wait3A_31 : memref<10240x128xf32, #tpu.memory_space<vmem_shared>>)
        tpu.yield
      }) : () -> ()
    }
    %scan3A_8 = arith.constant 80 : i32
    %barrier3A_9 = arith.constant 0 : index
    tpu.barrier barrier_id(%barrier3A_9)
    "tpu.region"() ({
      %run_scoped3A = tpu.sem_alloc : memref<!tpu.dma_semaphore, #tpu.memory_space<semaphore_mem>>
      %dma_start3A = arith.constant 0 : i32
      %dma_start3A_17 = tpu.memref_slice %arg6[%arg0, %mul3A_4, %dma_start3A] : memref<2x10240x128xf32, #tpu.memory_space<hbm>> -> memref<1x640x128xf32, #tpu.memory_space<hbm>>
      %dma_start3A_18 = tpu.memref_squeeze %dma_start3A_17 : memref<1x640x128xf32, #tpu.memory_space<hbm>> -> memref<640x128xf32, #tpu.memory_space<hbm>>
      %dma_start3A_19 = arith.constant 0 : i32
      %dma_start3A_20 = tpu.memref_slice %arg8[%mul3A_4, %dma_start3A_19] : memref<10240x128xf32, #tpu.memory_space<vmem_shared>> -> memref<640x128xf32, #tpu.memory_space<vmem_shared>>
      tpu.enqueue_dma source(%dma_start3A_20 : memref<640x128xf32, #tpu.memory_space<vmem_shared>>) target(%dma_start3A_18 : memref<640x128xf32, #tpu.memory_space<hbm>>) target_semaphore(%run_scoped3A : memref<!tpu.dma_semaphore, #tpu.memory_space<semaphore_mem>>)
      %dma_wait3A = arith.constant 0 : i32
      %dma_wait3A_21 = tpu.memref_slice %arg6[%arg0, %mul3A_4, %dma_wait3A] : memref<2x10240x128xf32, #tpu.memory_space<hbm>> -> memref<1x640x128xf32, #tpu.memory_space<hbm>>
      %dma_wait3A_22 = tpu.memref_squeeze %dma_wait3A_21 : memref<1x640x128xf32, #tpu.memory_space<hbm>> -> memref<640x128xf32, #tpu.memory_space<hbm>>
      %dma_wait3A_23 = arith.constant 0 : i32
      %dma_wait3A_24 = tpu.memref_slice %arg8[%mul3A_4, %dma_wait3A_23] : memref<10240x128xf32, #tpu.memory_space<vmem_shared>> -> memref<640x128xf32, #tpu.memory_space<vmem_shared>>
      tpu.wait_dma2 semaphore(%run_scoped3A : memref<!tpu.dma_semaphore, #tpu.memory_space<semaphore_mem>>) src(%dma_wait3A_24 : memref<640x128xf32, #tpu.memory_space<vmem_shared>>) dst(%dma_wait3A_22 : memref<640x128xf32, #tpu.memory_space<hbm>>)
      tpu.yield
    }) : () -> ()
    "tpu.region"() ({
      %run_scoped3A = tpu.sem_alloc : memref<!tpu.dma_semaphore, #tpu.memory_space<semaphore_mem>>
      %dma_start3A = arith.constant 0 : i32
      %dma_start3A_17 = tpu.memref_slice %arg8[%mul3A_4, %dma_start3A] : memref<10240x128xf32, #tpu.memory_space<vmem_shared>> -> memref<640x128xf32, #tpu.memory_space<vmem_shared>>
      tpu.enqueue_dma source(%arg4 : memref<640x128xf32, #tpu.memory_space<hbm>>) target(%dma_start3A_17 : memref<640x128xf32, #tpu.memory_space<vmem_shared>>) target_semaphore(%run_scoped3A : memref<!tpu.dma_semaphore, #tpu.memory_space<semaphore_mem>>)
      %dma_wait3A = arith.constant 0 : i32
      %dma_wait3A_18 = tpu.memref_slice %arg8[%mul3A_4, %dma_wait3A] : memref<10240x128xf32, #tpu.memory_space<vmem_shared>> -> memref<640x128xf32, #tpu.memory_space<vmem_shared>>
      tpu.wait_dma2 semaphore(%run_scoped3A : memref<!tpu.dma_semaphore, #tpu.memory_space<semaphore_mem>>) src(%arg4 : memref<640x128xf32, #tpu.memory_space<hbm>>) dst(%dma_wait3A_18 : memref<640x128xf32, #tpu.memory_space<vmem_shared>>)
      tpu.yield
    }) : () -> ()
    %barrier3A_10 = arith.constant 0 : index
    tpu.barrier barrier_id(%barrier3A_10)
    %scan3A_11 = arith.constant 0 : i32
    %scan3A_12 = arith.constant 80 : i32
    %scan3A_13 = arith.addi %scan3A_11, %scan3A_12 : i32
    %scan3A_14 = arith.constant 1 : i32
    scf.for %scan3A_17 = %scan3A_11 to %scan3A_13 step %scan3A_14  : i32 {
      %mul3A_18 = arith.constant 1 : i32
      %mul3A_19 = arith.muli %scan3A_17, %mul3A_18 : i32
      %add3A_20 = arith.constant 0 : i32
      %add3A_21 = arith.addi %add3A_20, %mul3A_19 : i32
      "tpu.region"() ({
        %run_scoped3A = tpu.sem_alloc : memref<!tpu.dma_semaphore, #tpu.memory_space<semaphore_mem>>
        %dma_start3A = arith.constant 0 : i32
        %dma_start3A_22 = tpu.memref_slice %arg11[%add3A_21, %dma_start3A] : memref<80x128xi32, #tpu.memory_space<vmem>> -> memref<1x128xi32, #tpu.memory_space<vmem>>
        %dma_start3A_23 = tpu.memref_squeeze %dma_start3A_22 : memref<1x128xi32, #tpu.memory_space<vmem>> -> memref<128xi32, #tpu.memory_space<vmem>>
        %dma_start3A_24 = arith.constant 0 : i32
        %dma_start3A_25 = arith.constant 0 : i32
        %dma_start3A_26 = tpu.memref_slice %arg8[%dma_start3A_24, %dma_start3A_25] : memref<10240x128xf32, #tpu.memory_space<vmem_shared>> -> memref<10240x128xf32, #tpu.memory_space<vmem_shared>>
        tpu.enqueue_indirect_dma source(%arg9 : memref<128x128xf32, #tpu.memory_space<vmem>>) target(%dma_start3A_26 : memref<10240x128xf32, #tpu.memory_space<vmem_shared>>) offsets(%dma_start3A_23 : memref<128xi32, #tpu.memory_space<vmem>>) semaphore(%run_scoped3A : memref<!tpu.dma_semaphore, #tpu.memory_space<semaphore_mem>>) {add = true}
        %dma_wait3A = arith.constant 0 : i32
        %dma_wait3A_27 = tpu.memref_slice %arg11[%add3A_21, %dma_wait3A] : memref<80x128xi32, #tpu.memory_space<vmem>> -> memref<1x128xi32, #tpu.memory_space<vmem>>
        %dma_wait3A_28 = tpu.memref_squeeze %dma_wait3A_27 : memref<1x128xi32, #tpu.memory_space<vmem>> -> memref<128xi32, #tpu.memory_space<vmem>>
        %dma_wait3A_29 = arith.constant 0 : i32
        %dma_wait3A_30 = arith.constant 0 : i32
        %dma_wait3A_31 = tpu.memref_slice %arg8[%dma_wait3A_29, %dma_wait3A_30] : memref<10240x128xf32, #tpu.memory_space<vmem_shared>> -> memref<10240x128xf32, #tpu.memory_space<vmem_shared>>
        tpu.wait_indirect_dma semaphore(%run_scoped3A : memref<!tpu.dma_semaphore, #tpu.memory_space<semaphore_mem>>) src(%arg9 : memref<128x128xf32, #tpu.memory_space<vmem>>) dst(%dma_wait3A_31 : memref<10240x128xf32, #tpu.memory_space<vmem_shared>>)
        tpu.yield
      }) : () -> ()
    }
    %scan3A_15 = arith.constant 80 : i32
    %barrier3A_16 = arith.constant 0 : index
    tpu.barrier barrier_id(%barrier3A_16)
    "tpu.region"() ({
      %run_scoped3A = tpu.sem_alloc : memref<!tpu.dma_semaphore, #tpu.memory_space<semaphore_mem>>
      %dma_start3A = arith.constant 0 : i32
      %dma_start3A_17 = tpu.memref_slice %arg7[%arg0, %mul3A_4, %dma_start3A] : memref<2x10240x128xf32, #tpu.memory_space<hbm>> -> memref<1x640x128xf32, #tpu.memory_space<hbm>>
      %dma_start3A_18 = tpu.memref_squeeze %dma_start3A_17 : memref<1x640x128xf32, #tpu.memory_space<hbm>> -> memref<640x128xf32, #tpu.memory_space<hbm>>
      %dma_start3A_19 = arith.constant 0 : i32
      %dma_start3A_20 = tpu.memref_slice %arg8[%mul3A_4, %dma_start3A_19] : memref<10240x128xf32, #tpu.memory_space<vmem_shared>> -> memref<640x128xf32, #tpu.memory_space<vmem_shared>>
      tpu.enqueue_dma source(%dma_start3A_20 : memref<640x128xf32, #tpu.memory_space<vmem_shared>>) target(%dma_start3A_18 : memref<640x128xf32, #tpu.memory_space<hbm>>) target_semaphore(%run_scoped3A : memref<!tpu.dma_semaphore, #tpu.memory_space<semaphore_mem>>)
      %dma_wait3A = arith.constant 0 : i32
      %dma_wait3A_21 = tpu.memref_slice %arg7[%arg0, %mul3A_4, %dma_wait3A] : memref<2x10240x128xf32, #tpu.memory_space<hbm>> -> memref<1x640x128xf32, #tpu.memory_space<hbm>>
      %dma_wait3A_22 = tpu.memref_squeeze %dma_wait3A_21 : memref<1x640x128xf32, #tpu.memory_space<hbm>> -> memref<640x128xf32, #tpu.memory_space<hbm>>
      %dma_wait3A_23 = arith.constant 0 : i32
      %dma_wait3A_24 = tpu.memref_slice %arg8[%mul3A_4, %dma_wait3A_23] : memref<10240x128xf32, #tpu.memory_space<vmem_shared>> -> memref<640x128xf32, #tpu.memory_space<vmem_shared>>
      tpu.wait_dma2 semaphore(%run_scoped3A : memref<!tpu.dma_semaphore, #tpu.memory_space<semaphore_mem>>) src(%dma_wait3A_24 : memref<640x128xf32, #tpu.memory_space<vmem_shared>>) dst(%dma_wait3A_22 : memref<640x128xf32, #tpu.memory_space<hbm>>)
      tpu.yield
    }) : () -> ()
    return
  }
}

#map = affine_map<(d0, d1) -> (0, 0)>
#map1 = affine_map<(d0, d1) -> (0, 0, 0)>
module attributes {stable_mosaic.version = 14 : i64} {
  func.func @k(%arg0: i32, %arg1: i32, %arg2: memref<10240x128xf32, #tpu.memory_space<hbm>>, %arg3: memref<2560x128xi32, #tpu.memory_space<hbm>>, %arg4: memref<2560x128xi32, #tpu.memory_space<hbm>>, %arg5: memref<640x128xf32, #tpu.memory_space<hbm>>, %arg6: memref<2x10240x128xf32, #tpu.memory_space<hbm>>, %arg7: memref<10240x128xf32, #tpu.memory_space<vmem_shared>>, %arg8: memref<128x128xf32, #tpu.memory_space<vmem>>, %arg9: memref<128x128xf32, #tpu.memory_space<vmem>>, %arg10: memref<120x128xi32, #tpu.memory_space<vmem>>, %arg11: memref<1x128xi32, #tpu.memory_space<vmem>>, %arg12: memref<1x128xi32, #tpu.memory_space<vmem>>, %arg13: memref<!tpu.dma_semaphore, #tpu.memory_space<semaphore_mem>>, %arg14: memref<!tpu.dma_semaphore, #tpu.memory_space<semaphore_mem>>, %arg15: memref<!tpu.dma_semaphore, #tpu.memory_space<semaphore_mem>>, %arg16: memref<!tpu.dma_semaphore, #tpu.memory_space<semaphore_mem>>, %arg17: memref<!tpu.dma_semaphore, #tpu.memory_space<semaphore_mem>>, %arg18: memref<!tpu.dma_semaphore, #tpu.memory_space<semaphore_mem>>) attributes {dimension_semantics = [#tpu.dimension_semantics<core_parallel>, #tpu.dimension_semantics<subcore_parallel>], iteration_bounds = array<i64: 2, 16>, scalar_prefetch = 0 : i64, scratch_operands = 12 : i64, tpu.core_type = #tpu.core_type<sc_vector_subcore>, window_params = [{transform_indices = #map}, {transform_indices = #map}, {transform_indices = #map}, {transform_indices = #map}, {transform_indices = #map1}]} {
    %eq3A = arith.constant 0 : i32
    %eq3A_0 = arith.cmpi eq, %arg0, %eq3A : i32
    %mul3A = arith.constant 120 : i32
    %mul3A_1 = arith.muli %arg1, %mul3A : i32
    %mul3A_2 = arith.constant 40 : i32
    %mul3A_3 = arith.muli %arg1, %mul3A_2 : i32
    %add3A = arith.constant 1920 : i32
    %add3A_4 = arith.addi %add3A, %mul3A_3 : i32
    %select_n3A = arith.select %eq3A_0, %mul3A_1, %add3A_4 : i32
    %eq3A_5 = arith.constant 0 : i32
    %eq3A_6 = arith.cmpi eq, %arg0, %eq3A_5 : i32
    %jit3A = arith.constant 120 : i32
    %jit3A_7 = arith.constant 40 : i32
    %select_n3A_8 = arith.select %eq3A_6, %jit3A, %jit3A_7 : i32
    %mul3A_9 = arith.constant 640 : i32
    %mul3A_10 = arith.muli %arg1, %mul3A_9 : i32
    %eq3A_11 = arith.constant 0 : i32
    %eq3A_12 = arith.cmpi eq, %arg0, %eq3A_11 : i32
    %convert_element_type3A = arith.extui %eq3A_12 : i1 to i32
    %cond3A = arith.constant 0 : i32
    %cond3A_13 = arith.cmpi ne, %convert_element_type3A, %cond3A : i32
    scf.if %cond3A_13 {
      "tpu.region"() ({
        %run_scoped3A = tpu.sem_alloc : memref<!tpu.dma_semaphore, #tpu.memory_space<semaphore_mem>>
        %dma_start3A_74 = arith.constant 0 : i32
        %dma_start3A_75 = arith.constant 0 : i32
        %dma_start3A_76 = tpu.memref_slice %arg10[%dma_start3A_74, %dma_start3A_75] : memref<120x128xi32, #tpu.memory_space<vmem>> -> memref<120x128xi32, #tpu.memory_space<vmem>>
        %dma_start3A_77 = arith.constant 0 : i32
        %dma_start3A_78 = tpu.memref_slice %arg4[%select_n3A, %dma_start3A_77] : memref<2560x128xi32, #tpu.memory_space<hbm>> -> memref<120x128xi32, #tpu.memory_space<hbm>>
        %dma_start3A_79 = arith.constant 0 : i32
        %dma_start3A_80 = arith.constant 0 : i32
        %dma_start3A_81 = tpu.memref_slice %arg10[%dma_start3A_79, %dma_start3A_80] : memref<120x128xi32, #tpu.memory_space<vmem>> -> memref<120x128xi32, #tpu.memory_space<vmem>>
        %dma_start3A_82 = arith.constant 0 : i32
        %dma_start3A_83 = tpu.memref_slice %arg4[%select_n3A, %dma_start3A_82] : memref<2560x128xi32, #tpu.memory_space<hbm>> -> memref<120x128xi32, #tpu.memory_space<hbm>>
        tpu.enqueue_dma source(%dma_start3A_83 : memref<120x128xi32, #tpu.memory_space<hbm>>) target(%dma_start3A_81 : memref<120x128xi32, #tpu.memory_space<vmem>>) target_semaphore(%run_scoped3A : memref<!tpu.dma_semaphore, #tpu.memory_space<semaphore_mem>>)
        %dma_wait3A_84 = arith.constant 0 : i32
        %dma_wait3A_85 = arith.constant 0 : i32
        %dma_wait3A_86 = tpu.memref_slice %arg10[%dma_wait3A_84, %dma_wait3A_85] : memref<120x128xi32, #tpu.memory_space<vmem>> -> memref<120x128xi32, #tpu.memory_space<vmem>>
        %dma_wait3A_87 = arith.constant 0 : i32
        %dma_wait3A_88 = tpu.memref_slice %arg4[%select_n3A, %dma_wait3A_87] : memref<2560x128xi32, #tpu.memory_space<hbm>> -> memref<120x128xi32, #tpu.memory_space<hbm>>
        %dma_wait3A_89 = arith.constant 0 : i32
        %dma_wait3A_90 = arith.constant 0 : i32
        %dma_wait3A_91 = tpu.memref_slice %arg10[%dma_wait3A_89, %dma_wait3A_90] : memref<120x128xi32, #tpu.memory_space<vmem>> -> memref<120x128xi32, #tpu.memory_space<vmem>>
        %dma_wait3A_92 = arith.constant 0 : i32
        %dma_wait3A_93 = tpu.memref_slice %arg4[%select_n3A, %dma_wait3A_92] : memref<2560x128xi32, #tpu.memory_space<hbm>> -> memref<120x128xi32, #tpu.memory_space<hbm>>
        tpu.wait_dma2 semaphore(%run_scoped3A : memref<!tpu.dma_semaphore, #tpu.memory_space<semaphore_mem>>) src(%dma_wait3A_93 : memref<120x128xi32, #tpu.memory_space<hbm>>) dst(%dma_wait3A_91 : memref<120x128xi32, #tpu.memory_space<vmem>>)
        tpu.yield
      }) : () -> ()
    } else {
    }
    %eq3A_14 = arith.constant 1 : i32
    %eq3A_15 = arith.cmpi eq, %arg0, %eq3A_14 : i32
    %convert_element_type3A_16 = arith.extui %eq3A_15 : i1 to i32
    %cond3A_17 = arith.constant 0 : i32
    %cond3A_18 = arith.cmpi ne, %convert_element_type3A_16, %cond3A_17 : i32
    scf.if %cond3A_18 {
      "tpu.region"() ({
        %run_scoped3A = tpu.sem_alloc : memref<!tpu.dma_semaphore, #tpu.memory_space<semaphore_mem>>
        %dma_start3A_74 = arith.constant 0 : i32
        %dma_start3A_75 = arith.constant 0 : i32
        %dma_start3A_76 = tpu.memref_slice %arg10[%dma_start3A_74, %dma_start3A_75] : memref<120x128xi32, #tpu.memory_space<vmem>> -> memref<40x128xi32, #tpu.memory_space<vmem>>
        %dma_start3A_77 = arith.constant 0 : i32
        %dma_start3A_78 = tpu.memref_slice %arg4[%select_n3A, %dma_start3A_77] : memref<2560x128xi32, #tpu.memory_space<hbm>> -> memref<40x128xi32, #tpu.memory_space<hbm>>
        %dma_start3A_79 = arith.constant 0 : i32
        %dma_start3A_80 = arith.constant 0 : i32
        %dma_start3A_81 = tpu.memref_slice %arg10[%dma_start3A_79, %dma_start3A_80] : memref<120x128xi32, #tpu.memory_space<vmem>> -> memref<40x128xi32, #tpu.memory_space<vmem>>
        %dma_start3A_82 = arith.constant 0 : i32
        %dma_start3A_83 = tpu.memref_slice %arg4[%select_n3A, %dma_start3A_82] : memref<2560x128xi32, #tpu.memory_space<hbm>> -> memref<40x128xi32, #tpu.memory_space<hbm>>
        tpu.enqueue_dma source(%dma_start3A_83 : memref<40x128xi32, #tpu.memory_space<hbm>>) target(%dma_start3A_81 : memref<40x128xi32, #tpu.memory_space<vmem>>) target_semaphore(%run_scoped3A : memref<!tpu.dma_semaphore, #tpu.memory_space<semaphore_mem>>)
        %dma_wait3A_84 = arith.constant 0 : i32
        %dma_wait3A_85 = arith.constant 0 : i32
        %dma_wait3A_86 = tpu.memref_slice %arg10[%dma_wait3A_84, %dma_wait3A_85] : memref<120x128xi32, #tpu.memory_space<vmem>> -> memref<40x128xi32, #tpu.memory_space<vmem>>
        %dma_wait3A_87 = arith.constant 0 : i32
        %dma_wait3A_88 = tpu.memref_slice %arg4[%select_n3A, %dma_wait3A_87] : memref<2560x128xi32, #tpu.memory_space<hbm>> -> memref<40x128xi32, #tpu.memory_space<hbm>>
        %dma_wait3A_89 = arith.constant 0 : i32
        %dma_wait3A_90 = arith.constant 0 : i32
        %dma_wait3A_91 = tpu.memref_slice %arg10[%dma_wait3A_89, %dma_wait3A_90] : memref<120x128xi32, #tpu.memory_space<vmem>> -> memref<40x128xi32, #tpu.memory_space<vmem>>
        %dma_wait3A_92 = arith.constant 0 : i32
        %dma_wait3A_93 = tpu.memref_slice %arg4[%select_n3A, %dma_wait3A_92] : memref<2560x128xi32, #tpu.memory_space<hbm>> -> memref<40x128xi32, #tpu.memory_space<hbm>>
        tpu.wait_dma2 semaphore(%run_scoped3A : memref<!tpu.dma_semaphore, #tpu.memory_space<semaphore_mem>>) src(%dma_wait3A_93 : memref<40x128xi32, #tpu.memory_space<hbm>>) dst(%dma_wait3A_91 : memref<40x128xi32, #tpu.memory_space<vmem>>)
        tpu.yield
      }) : () -> ()
    } else {
    }
    "tpu.region"() ({
      %run_scoped3A = tpu.sem_alloc : memref<!tpu.dma_semaphore, #tpu.memory_space<semaphore_mem>>
      %dma_start3A_74 = arith.constant 0 : i32
      %dma_start3A_75 = tpu.memref_slice %arg3[%select_n3A, %dma_start3A_74] : memref<2560x128xi32, #tpu.memory_space<hbm>> -> memref<1x128xi32, #tpu.memory_space<hbm>>
      %dma_start3A_76 = arith.constant 0 : i32
      %dma_start3A_77 = tpu.memref_slice %arg3[%select_n3A, %dma_start3A_76] : memref<2560x128xi32, #tpu.memory_space<hbm>> -> memref<1x128xi32, #tpu.memory_space<hbm>>
      tpu.enqueue_dma source(%dma_start3A_77 : memref<1x128xi32, #tpu.memory_space<hbm>>) target(%arg11 : memref<1x128xi32, #tpu.memory_space<vmem>>) target_semaphore(%run_scoped3A : memref<!tpu.dma_semaphore, #tpu.memory_space<semaphore_mem>>)
      %dma_wait3A_78 = arith.constant 0 : i32
      %dma_wait3A_79 = tpu.memref_slice %arg3[%select_n3A, %dma_wait3A_78] : memref<2560x128xi32, #tpu.memory_space<hbm>> -> memref<1x128xi32, #tpu.memory_space<hbm>>
      %dma_wait3A_80 = arith.constant 0 : i32
      %dma_wait3A_81 = tpu.memref_slice %arg3[%select_n3A, %dma_wait3A_80] : memref<2560x128xi32, #tpu.memory_space<hbm>> -> memref<1x128xi32, #tpu.memory_space<hbm>>
      tpu.wait_dma2 semaphore(%run_scoped3A : memref<!tpu.dma_semaphore, #tpu.memory_space<semaphore_mem>>) src(%dma_wait3A_81 : memref<1x128xi32, #tpu.memory_space<hbm>>) dst(%arg11 : memref<1x128xi32, #tpu.memory_space<vmem>>)
      tpu.yield
    }) : () -> ()
    %dma_start3A = arith.constant 0 : i32
    %dma_start3A_19 = arith.constant 0 : i32
    %dma_start3A_20 = tpu.memref_slice %arg11[%dma_start3A, %dma_start3A_19] : memref<1x128xi32, #tpu.memory_space<vmem>> -> memref<1x128xi32, #tpu.memory_space<vmem>>
    %dma_start3A_21 = tpu.memref_squeeze %dma_start3A_20 : memref<1x128xi32, #tpu.memory_space<vmem>> -> memref<128xi32, #tpu.memory_space<vmem>>
    %dma_start3A_22 = arith.constant 0 : i32
    %dma_start3A_23 = arith.constant 0 : i32
    %dma_start3A_24 = tpu.memref_slice %arg2[%dma_start3A_22, %dma_start3A_23] : memref<10240x128xf32, #tpu.memory_space<hbm>> -> memref<10240x128xf32, #tpu.memory_space<hbm>>
    tpu.enqueue_indirect_dma source(%dma_start3A_24 : memref<10240x128xf32, #tpu.memory_space<hbm>>) target(%arg8 : memref<128x128xf32, #tpu.memory_space<vmem>>) offsets(%dma_start3A_21 : memref<128xi32, #tpu.memory_space<vmem>>) semaphore(%arg13 : memref<!tpu.dma_semaphore, #tpu.memory_space<semaphore_mem>>)
    %add3A_25 = arith.constant 1 : i32
    %add3A_26 = arith.addi %select_n3A, %add3A_25 : i32
    %dma_start3A_27 = arith.constant 0 : i32
    %dma_start3A_28 = tpu.memref_slice %arg3[%add3A_26, %dma_start3A_27] : memref<2560x128xi32, #tpu.memory_space<hbm>> -> memref<1x128xi32, #tpu.memory_space<hbm>>
    %dma_start3A_29 = arith.constant 0 : i32
    %dma_start3A_30 = tpu.memref_slice %arg3[%add3A_26, %dma_start3A_29] : memref<2560x128xi32, #tpu.memory_space<hbm>> -> memref<1x128xi32, #tpu.memory_space<hbm>>
    tpu.enqueue_dma source(%dma_start3A_30 : memref<1x128xi32, #tpu.memory_space<hbm>>) target(%arg12 : memref<1x128xi32, #tpu.memory_space<vmem>>) target_semaphore(%arg18 : memref<!tpu.dma_semaphore, #tpu.memory_space<semaphore_mem>>)
    "tpu.region"() ({
      %run_scoped3A = tpu.sem_alloc : memref<!tpu.dma_semaphore, #tpu.memory_space<semaphore_mem>>
      %dma_start3A_74 = arith.constant 0 : i32
      %dma_start3A_75 = tpu.memref_slice %arg7[%mul3A_10, %dma_start3A_74] : memref<10240x128xf32, #tpu.memory_space<vmem_shared>> -> memref<640x128xf32, #tpu.memory_space<vmem_shared>>
      tpu.enqueue_dma source(%arg5 : memref<640x128xf32, #tpu.memory_space<hbm>>) target(%dma_start3A_75 : memref<640x128xf32, #tpu.memory_space<vmem_shared>>) target_semaphore(%run_scoped3A : memref<!tpu.dma_semaphore, #tpu.memory_space<semaphore_mem>>)
      %dma_wait3A_76 = arith.constant 0 : i32
      %dma_wait3A_77 = tpu.memref_slice %arg7[%mul3A_10, %dma_wait3A_76] : memref<10240x128xf32, #tpu.memory_space<vmem_shared>> -> memref<640x128xf32, #tpu.memory_space<vmem_shared>>
      tpu.wait_dma2 semaphore(%run_scoped3A : memref<!tpu.dma_semaphore, #tpu.memory_space<semaphore_mem>>) src(%arg5 : memref<640x128xf32, #tpu.memory_space<hbm>>) dst(%dma_wait3A_77 : memref<640x128xf32, #tpu.memory_space<vmem_shared>>)
      tpu.yield
    }) : () -> ()
    %barrier3A = arith.constant 0 : index
    tpu.barrier barrier_id(%barrier3A)
    %jit3A_31 = arith.constant 2 : i32
    %div3A = arith.divsi %select_n3A_8, %jit3A_31 : i32
    %sign3A = arith.constant 0 : i32
    %sign3A_32 = arith.cmpi sgt, %select_n3A_8, %sign3A : i32
    %sign3A_33 = arith.extui %sign3A_32 : i1 to i32
    %sign3A_34 = arith.constant 0 : i32
    %sign3A_35 = arith.cmpi slt, %select_n3A_8, %sign3A_34 : i32
    %sign3A_36 = arith.extui %sign3A_35 : i1 to i32
    %sign3A_37 = arith.subi %sign3A_33, %sign3A_36 : i32
    %sign3A_38 = arith.constant 0 : i32
    %sign3A_39 = arith.cmpi sgt, %jit3A_31, %sign3A_38 : i32
    %sign3A_40 = arith.extui %sign3A_39 : i1 to i32
    %sign3A_41 = arith.constant 0 : i32
    %sign3A_42 = arith.cmpi slt, %jit3A_31, %sign3A_41 : i32
    %sign3A_43 = arith.extui %sign3A_42 : i1 to i32
    %sign3A_44 = arith.subi %sign3A_40, %sign3A_43 : i32
    %ne3A = arith.cmpi ne, %sign3A_37, %sign3A_44 : i32
    %rem3A = arith.remsi %select_n3A_8, %jit3A_31 : i32
    %ne3A_45 = arith.constant 0 : i32
    %ne3A_46 = arith.cmpi ne, %rem3A, %ne3A_45 : i32
    %and3A = arith.andi %ne3A, %ne3A_46 : i1
    %sub3A = arith.constant 1 : i32
    %sub3A_47 = arith.subi %div3A, %sub3A : i32
    %select_n3A_48 = arith.select %and3A, %sub3A_47, %div3A : i32
    %sub3A_49 = arith.constant 0 : i32
    %sub3A_50 = arith.subi %select_n3A_48, %sub3A_49 : i32
    %sub3A_51 = arith.constant 1 : i32
    %sub3A_52 = arith.constant 1 : i32
    %sub3A_53 = arith.subi %sub3A_51, %sub3A_52 : i32
    %add3A_54 = arith.addi %sub3A_50, %sub3A_53 : i32
    %div3A_55 = arith.constant 1 : i32
    %div3A_56 = arith.divsi %add3A_54, %div3A_55 : i32
    %while3A = arith.constant 1 : i32
    %while3A_57 = arith.constant 0 : i32
    %while3A_58 = arith.constant 0 : i32
    %while3A_59 = arith.subi %div3A_56, %while3A_58 : i32
    %while3A_60 = arith.addi %while3A_58, %while3A_59 : i32
    %while3A_61 = arith.constant 1 : i32
    %while3A_62 = arith.divsi %while3A_59, %while3A_61 : i32
    %while3A_63 = arith.muli %while3A_62, %while3A_61 : i32
    %while3A_64 = arith.addi %while3A_58, %while3A_63 : i32
    %while3A_65 = arith.constant 1 : i32
    scf.for %while3A_74 = %while3A_58 to %while3A_64 step %while3A_65  : i32 {
      %mul3A_75 = arith.muli %while3A_74, %while3A : i32
      %add3A_76 = arith.addi %while3A_57, %mul3A_75 : i32
      %mul3A_77 = arith.constant 2 : i32
      %mul3A_78 = arith.muli %mul3A_77, %add3A_76 : i32
      %add3A_79 = arith.constant 0 : i32
      %add3A_80 = arith.addi %mul3A_78, %add3A_79 : i32
      %gt3A = arith.constant 0 : i32
      %gt3A_81 = arith.cmpi sgt, %add3A_80, %gt3A : i32
      %convert_element_type3A_82 = arith.extui %gt3A_81 : i1 to i32
      %cond3A_83 = arith.constant 0 : i32
      %cond3A_84 = arith.cmpi ne, %convert_element_type3A_82, %cond3A_83 : i32
      scf.if %cond3A_84 {
        %dma_wait3A_143 = arith.constant 0 : i32
        %dma_wait3A_144 = arith.constant 0 : i32
        %dma_wait3A_145 = tpu.memref_slice %arg10[%dma_wait3A_143, %dma_wait3A_144] : memref<120x128xi32, #tpu.memory_space<vmem>> -> memref<1x128xi32, #tpu.memory_space<vmem>>
        %dma_wait3A_146 = tpu.memref_squeeze %dma_wait3A_145 : memref<1x128xi32, #tpu.memory_space<vmem>> -> memref<128xi32, #tpu.memory_space<vmem>>
        %dma_wait3A_147 = arith.constant 0 : i32
        %dma_wait3A_148 = arith.constant 0 : i32
        %dma_wait3A_149 = tpu.memref_slice %arg7[%dma_wait3A_147, %dma_wait3A_148] : memref<10240x128xf32, #tpu.memory_space<vmem_shared>> -> memref<10240x128xf32, #tpu.memory_space<vmem_shared>>
        tpu.wait_indirect_dma semaphore(%arg16 : memref<!tpu.dma_semaphore, #tpu.memory_space<semaphore_mem>>) src(%arg9 : memref<128x128xf32, #tpu.memory_space<vmem>>) dst(%dma_wait3A_149 : memref<10240x128xf32, #tpu.memory_space<vmem_shared>>)
      } else {
      }
      %add3A_85 = arith.constant 1 : i32
      %add3A_86 = arith.addi %add3A_80, %add3A_85 : i32
      %lt3A = arith.cmpi slt, %add3A_86, %select_n3A_8 : i32
      %convert_element_type3A_87 = arith.extui %lt3A : i1 to i32
      %cond3A_88 = arith.constant 0 : i32
      %cond3A_89 = arith.cmpi ne, %convert_element_type3A_87, %cond3A_88 : i32
      scf.if %cond3A_89 {
        %dma_wait3A_143 = arith.constant 0 : i32
        %dma_wait3A_144 = tpu.memref_slice %arg3[%select_n3A, %dma_wait3A_143] : memref<2560x128xi32, #tpu.memory_space<hbm>> -> memref<1x128xi32, #tpu.memory_space<hbm>>
        %dma_wait3A_145 = arith.constant 0 : i32
        %dma_wait3A_146 = tpu.memref_slice %arg3[%select_n3A, %dma_wait3A_145] : memref<2560x128xi32, #tpu.memory_space<hbm>> -> memref<1x128xi32, #tpu.memory_space<hbm>>
        tpu.wait_dma2 semaphore(%arg18 : memref<!tpu.dma_semaphore, #tpu.memory_space<semaphore_mem>>) src(%dma_wait3A_146 : memref<1x128xi32, #tpu.memory_space<hbm>>) dst(%arg12 : memref<1x128xi32, #tpu.memory_space<vmem>>)
        %dma_start3A_147 = arith.constant 0 : i32
        %dma_start3A_148 = arith.constant 0 : i32
        %dma_start3A_149 = tpu.memref_slice %arg12[%dma_start3A_147, %dma_start3A_148] : memref<1x128xi32, #tpu.memory_space<vmem>> -> memref<1x128xi32, #tpu.memory_space<vmem>>
        %dma_start3A_150 = tpu.memref_squeeze %dma_start3A_149 : memref<1x128xi32, #tpu.memory_space<vmem>> -> memref<128xi32, #tpu.memory_space<vmem>>
        %dma_start3A_151 = arith.constant 0 : i32
        %dma_start3A_152 = arith.constant 0 : i32
        %dma_start3A_153 = tpu.memref_slice %arg2[%dma_start3A_151, %dma_start3A_152] : memref<10240x128xf32, #tpu.memory_space<hbm>> -> memref<10240x128xf32, #tpu.memory_space<hbm>>
        tpu.enqueue_indirect_dma source(%dma_start3A_153 : memref<10240x128xf32, #tpu.memory_space<hbm>>) target(%arg9 : memref<128x128xf32, #tpu.memory_space<vmem>>) offsets(%dma_start3A_150 : memref<128xi32, #tpu.memory_space<vmem>>) semaphore(%arg14 : memref<!tpu.dma_semaphore, #tpu.memory_space<semaphore_mem>>)
      } else {
      }
      %dma_wait3A_90 = arith.constant 0 : i32
      %dma_wait3A_91 = arith.constant 0 : i32
      %dma_wait3A_92 = tpu.memref_slice %arg11[%dma_wait3A_90, %dma_wait3A_91] : memref<1x128xi32, #tpu.memory_space<vmem>> -> memref<1x128xi32, #tpu.memory_space<vmem>>
      %dma_wait3A_93 = tpu.memref_squeeze %dma_wait3A_92 : memref<1x128xi32, #tpu.memory_space<vmem>> -> memref<128xi32, #tpu.memory_space<vmem>>
      %dma_wait3A_94 = arith.constant 0 : i32
      %dma_wait3A_95 = arith.constant 0 : i32
      %dma_wait3A_96 = tpu.memref_slice %arg2[%dma_wait3A_94, %dma_wait3A_95] : memref<10240x128xf32, #tpu.memory_space<hbm>> -> memref<10240x128xf32, #tpu.memory_space<hbm>>
      tpu.wait_indirect_dma semaphore(%arg13 : memref<!tpu.dma_semaphore, #tpu.memory_space<semaphore_mem>>) src(%dma_wait3A_96 : memref<10240x128xf32, #tpu.memory_space<hbm>>) dst(%arg8 : memref<128x128xf32, #tpu.memory_space<vmem>>)
      %dma_start3A_97 = arith.constant 0 : i32
      %dma_start3A_98 = tpu.memref_slice %arg10[%add3A_80, %dma_start3A_97] : memref<120x128xi32, #tpu.memory_space<vmem>> -> memref<1x128xi32, #tpu.memory_space<vmem>>
      %dma_start3A_99 = tpu.memref_squeeze %dma_start3A_98 : memref<1x128xi32, #tpu.memory_space<vmem>> -> memref<128xi32, #tpu.memory_space<vmem>>
      %dma_start3A_100 = arith.constant 0 : i32
      %dma_start3A_101 = arith.constant 0 : i32
      %dma_start3A_102 = tpu.memref_slice %arg7[%dma_start3A_100, %dma_start3A_101] : memref<10240x128xf32, #tpu.memory_space<vmem_shared>> -> memref<10240x128xf32, #tpu.memory_space<vmem_shared>>
      tpu.enqueue_indirect_dma source(%arg8 : memref<128x128xf32, #tpu.memory_space<vmem>>) target(%dma_start3A_102 : memref<10240x128xf32, #tpu.memory_space<vmem_shared>>) offsets(%dma_start3A_99 : memref<128xi32, #tpu.memory_space<vmem>>) semaphore(%arg15 : memref<!tpu.dma_semaphore, #tpu.memory_space<semaphore_mem>>) {add = true}
      %add3A_103 = arith.constant 2 : i32
      %add3A_104 = arith.addi %add3A_80, %add3A_103 : i32
      %lt3A_105 = arith.cmpi slt, %add3A_104, %select_n3A_8 : i32
      %convert_element_type3A_106 = arith.extui %lt3A_105 : i1 to i32
      %cond3A_107 = arith.constant 0 : i32
      %cond3A_108 = arith.cmpi ne, %convert_element_type3A_106, %cond3A_107 : i32
      scf.if %cond3A_108 {
        %add3A_143 = arith.addi %select_n3A, %add3A_80 : i32
        %add3A_144 = arith.constant 2 : i32
        %add3A_145 = arith.addi %add3A_143, %add3A_144 : i32
        %dma_start3A_146 = arith.constant 0 : i32
        %dma_start3A_147 = tpu.memref_slice %arg3[%add3A_145, %dma_start3A_146] : memref<2560x128xi32, #tpu.memory_space<hbm>> -> memref<1x128xi32, #tpu.memory_space<hbm>>
        %dma_start3A_148 = arith.constant 0 : i32
        %dma_start3A_149 = tpu.memref_slice %arg3[%add3A_145, %dma_start3A_148] : memref<2560x128xi32, #tpu.memory_space<hbm>> -> memref<1x128xi32, #tpu.memory_space<hbm>>
        tpu.enqueue_dma source(%dma_start3A_149 : memref<1x128xi32, #tpu.memory_space<hbm>>) target(%arg11 : memref<1x128xi32, #tpu.memory_space<vmem>>) target_semaphore(%arg17 : memref<!tpu.dma_semaphore, #tpu.memory_space<semaphore_mem>>)
      } else {
      }
      %mul3A_109 = arith.constant 2 : i32
      %mul3A_110 = arith.muli %mul3A_109, %add3A_76 : i32
      %add3A_111 = arith.constant 1 : i32
      %add3A_112 = arith.addi %mul3A_110, %add3A_111 : i32
      %gt3A_113 = arith.constant 0 : i32
      %gt3A_114 = arith.cmpi sgt, %add3A_112, %gt3A_113 : i32
      %convert_element_type3A_115 = arith.extui %gt3A_114 : i1 to i32
      %cond3A_116 = arith.constant 0 : i32
      %cond3A_117 = arith.cmpi ne, %convert_element_type3A_115, %cond3A_116 : i32
      scf.if %cond3A_117 {
        %dma_wait3A_143 = arith.constant 0 : i32
        %dma_wait3A_144 = arith.constant 0 : i32
        %dma_wait3A_145 = tpu.memref_slice %arg10[%dma_wait3A_143, %dma_wait3A_144] : memref<120x128xi32, #tpu.memory_space<vmem>> -> memref<1x128xi32, #tpu.memory_space<vmem>>
        %dma_wait3A_146 = tpu.memref_squeeze %dma_wait3A_145 : memref<1x128xi32, #tpu.memory_space<vmem>> -> memref<128xi32, #tpu.memory_space<vmem>>
        %dma_wait3A_147 = arith.constant 0 : i32
        %dma_wait3A_148 = arith.constant 0 : i32
        %dma_wait3A_149 = tpu.memref_slice %arg7[%dma_wait3A_147, %dma_wait3A_148] : memref<10240x128xf32, #tpu.memory_space<vmem_shared>> -> memref<10240x128xf32, #tpu.memory_space<vmem_shared>>
        tpu.wait_indirect_dma semaphore(%arg15 : memref<!tpu.dma_semaphore, #tpu.memory_space<semaphore_mem>>) src(%arg8 : memref<128x128xf32, #tpu.memory_space<vmem>>) dst(%dma_wait3A_149 : memref<10240x128xf32, #tpu.memory_space<vmem_shared>>)
      } else {
      }
      %add3A_118 = arith.constant 1 : i32
      %add3A_119 = arith.addi %add3A_112, %add3A_118 : i32
      %lt3A_120 = arith.cmpi slt, %add3A_119, %select_n3A_8 : i32
      %convert_element_type3A_121 = arith.extui %lt3A_120 : i1 to i32
      %cond3A_122 = arith.constant 0 : i32
      %cond3A_123 = arith.cmpi ne, %convert_element_type3A_121, %cond3A_122 : i32
      scf.if %cond3A_123 {
        %dma_wait3A_143 = arith.constant 0 : i32
        %dma_wait3A_144 = tpu.memref_slice %arg3[%select_n3A, %dma_wait3A_143] : memref<2560x128xi32, #tpu.memory_space<hbm>> -> memref<1x128xi32, #tpu.memory_space<hbm>>
        %dma_wait3A_145 = arith.constant 0 : i32
        %dma_wait3A_146 = tpu.memref_slice %arg3[%select_n3A, %dma_wait3A_145] : memref<2560x128xi32, #tpu.memory_space<hbm>> -> memref<1x128xi32, #tpu.memory_space<hbm>>
        tpu.wait_dma2 semaphore(%arg17 : memref<!tpu.dma_semaphore, #tpu.memory_space<semaphore_mem>>) src(%dma_wait3A_146 : memref<1x128xi32, #tpu.memory_space<hbm>>) dst(%arg11 : memref<1x128xi32, #tpu.memory_space<vmem>>)
        %dma_start3A_147 = arith.constant 0 : i32
        %dma_start3A_148 = arith.constant 0 : i32
        %dma_start3A_149 = tpu.memref_slice %arg11[%dma_start3A_147, %dma_start3A_148] : memref<1x128xi32, #tpu.memory_space<vmem>> -> memref<1x128xi32, #tpu.memory_space<vmem>>
        %dma_start3A_150 = tpu.memref_squeeze %dma_start3A_149 : memref<1x128xi32, #tpu.memory_space<vmem>> -> memref<128xi32, #tpu.memory_space<vmem>>
        %dma_start3A_151 = arith.constant 0 : i32
        %dma_start3A_152 = arith.constant 0 : i32
        %dma_start3A_153 = tpu.memref_slice %arg2[%dma_start3A_151, %dma_start3A_152] : memref<10240x128xf32, #tpu.memory_space<hbm>> -> memref<10240x128xf32, #tpu.memory_space<hbm>>
        tpu.enqueue_indirect_dma source(%dma_start3A_153 : memref<10240x128xf32, #tpu.memory_space<hbm>>) target(%arg8 : memref<128x128xf32, #tpu.memory_space<vmem>>) offsets(%dma_start3A_150 : memref<128xi32, #tpu.memory_space<vmem>>) semaphore(%arg13 : memref<!tpu.dma_semaphore, #tpu.memory_space<semaphore_mem>>)
      } else {
      }
      %dma_wait3A_124 = arith.constant 0 : i32
      %dma_wait3A_125 = arith.constant 0 : i32
      %dma_wait3A_126 = tpu.memref_slice %arg12[%dma_wait3A_124, %dma_wait3A_125] : memref<1x128xi32, #tpu.memory_space<vmem>> -> memref<1x128xi32, #tpu.memory_space<vmem>>
      %dma_wait3A_127 = tpu.memref_squeeze %dma_wait3A_126 : memref<1x128xi32, #tpu.memory_space<vmem>> -> memref<128xi32, #tpu.memory_space<vmem>>
      %dma_wait3A_128 = arith.constant 0 : i32
      %dma_wait3A_129 = arith.constant 0 : i32
      %dma_wait3A_130 = tpu.memref_slice %arg2[%dma_wait3A_128, %dma_wait3A_129] : memref<10240x128xf32, #tpu.memory_space<hbm>> -> memref<10240x128xf32, #tpu.memory_space<hbm>>
      tpu.wait_indirect_dma semaphore(%arg14 : memref<!tpu.dma_semaphore, #tpu.memory_space<semaphore_mem>>) src(%dma_wait3A_130 : memref<10240x128xf32, #tpu.memory_space<hbm>>) dst(%arg9 : memref<128x128xf32, #tpu.memory_space<vmem>>)
      %dma_start3A_131 = arith.constant 0 : i32
      %dma_start3A_132 = tpu.memref_slice %arg10[%add3A_112, %dma_start3A_131] : memref<120x128xi32, #tpu.memory_space<vmem>> -> memref<1x128xi32, #tpu.memory_space<vmem>>
      %dma_start3A_133 = tpu.memref_squeeze %dma_start3A_132 : memref<1x128xi32, #tpu.memory_space<vmem>> -> memref<128xi32, #tpu.memory_space<vmem>>
      %dma_start3A_134 = arith.constant 0 : i32
      %dma_start3A_135 = arith.constant 0 : i32
      %dma_start3A_136 = tpu.memref_slice %arg7[%dma_start3A_134, %dma_start3A_135] : memref<10240x128xf32, #tpu.memory_space<vmem_shared>> -> memref<10240x128xf32, #tpu.memory_space<vmem_shared>>
      tpu.enqueue_indirect_dma source(%arg9 : memref<128x128xf32, #tpu.memory_space<vmem>>) target(%dma_start3A_136 : memref<10240x128xf32, #tpu.memory_space<vmem_shared>>) offsets(%dma_start3A_133 : memref<128xi32, #tpu.memory_space<vmem>>) semaphore(%arg16 : memref<!tpu.dma_semaphore, #tpu.memory_space<semaphore_mem>>) {add = true}
      %add3A_137 = arith.constant 2 : i32
      %add3A_138 = arith.addi %add3A_112, %add3A_137 : i32
      %lt3A_139 = arith.cmpi slt, %add3A_138, %select_n3A_8 : i32
      %convert_element_type3A_140 = arith.extui %lt3A_139 : i1 to i32
      %cond3A_141 = arith.constant 0 : i32
      %cond3A_142 = arith.cmpi ne, %convert_element_type3A_140, %cond3A_141 : i32
      scf.if %cond3A_142 {
        %add3A_143 = arith.addi %select_n3A, %add3A_112 : i32
        %add3A_144 = arith.constant 2 : i32
        %add3A_145 = arith.addi %add3A_143, %add3A_144 : i32
        %dma_start3A_146 = arith.constant 0 : i32
        %dma_start3A_147 = tpu.memref_slice %arg3[%add3A_145, %dma_start3A_146] : memref<2560x128xi32, #tpu.memory_space<hbm>> -> memref<1x128xi32, #tpu.memory_space<hbm>>
        %dma_start3A_148 = arith.constant 0 : i32
        %dma_start3A_149 = tpu.memref_slice %arg3[%add3A_145, %dma_start3A_148] : memref<2560x128xi32, #tpu.memory_space<hbm>> -> memref<1x128xi32, #tpu.memory_space<hbm>>
        tpu.enqueue_dma source(%dma_start3A_149 : memref<1x128xi32, #tpu.memory_space<hbm>>) target(%arg12 : memref<1x128xi32, #tpu.memory_space<vmem>>) target_semaphore(%arg18 : memref<!tpu.dma_semaphore, #tpu.memory_space<semaphore_mem>>)
      } else {
      }
    }
    %while3A_66 = arith.constant 1 : i32
    scf.for %while3A_74 = %while3A_64 to %while3A_60 step %while3A_66  : i32 {
      %mul3A_75 = arith.muli %while3A_74, %while3A : i32
      %add3A_76 = arith.addi %while3A_57, %mul3A_75 : i32
      %mul3A_77 = arith.constant 2 : i32
      %mul3A_78 = arith.muli %mul3A_77, %add3A_76 : i32
      %add3A_79 = arith.constant 0 : i32
      %add3A_80 = arith.addi %mul3A_78, %add3A_79 : i32
      %gt3A = arith.constant 0 : i32
      %gt3A_81 = arith.cmpi sgt, %add3A_80, %gt3A : i32
      %convert_element_type3A_82 = arith.extui %gt3A_81 : i1 to i32
      %cond3A_83 = arith.constant 0 : i32
      %cond3A_84 = arith.cmpi ne, %convert_element_type3A_82, %cond3A_83 : i32
      scf.if %cond3A_84 {
        %dma_wait3A_143 = arith.constant 0 : i32
        %dma_wait3A_144 = arith.constant 0 : i32
        %dma_wait3A_145 = tpu.memref_slice %arg10[%dma_wait3A_143, %dma_wait3A_144] : memref<120x128xi32, #tpu.memory_space<vmem>> -> memref<1x128xi32, #tpu.memory_space<vmem>>
        %dma_wait3A_146 = tpu.memref_squeeze %dma_wait3A_145 : memref<1x128xi32, #tpu.memory_space<vmem>> -> memref<128xi32, #tpu.memory_space<vmem>>
        %dma_wait3A_147 = arith.constant 0 : i32
        %dma_wait3A_148 = arith.constant 0 : i32
        %dma_wait3A_149 = tpu.memref_slice %arg7[%dma_wait3A_147, %dma_wait3A_148] : memref<10240x128xf32, #tpu.memory_space<vmem_shared>> -> memref<10240x128xf32, #tpu.memory_space<vmem_shared>>
        tpu.wait_indirect_dma semaphore(%arg16 : memref<!tpu.dma_semaphore, #tpu.memory_space<semaphore_mem>>) src(%arg9 : memref<128x128xf32, #tpu.memory_space<vmem>>) dst(%dma_wait3A_149 : memref<10240x128xf32, #tpu.memory_space<vmem_shared>>)
      } else {
      }
      %add3A_85 = arith.constant 1 : i32
      %add3A_86 = arith.addi %add3A_80, %add3A_85 : i32
      %lt3A = arith.cmpi slt, %add3A_86, %select_n3A_8 : i32
      %convert_element_type3A_87 = arith.extui %lt3A : i1 to i32
      %cond3A_88 = arith.constant 0 : i32
      %cond3A_89 = arith.cmpi ne, %convert_element_type3A_87, %cond3A_88 : i32
      scf.if %cond3A_89 {
        %dma_wait3A_143 = arith.constant 0 : i32
        %dma_wait3A_144 = tpu.memref_slice %arg3[%select_n3A, %dma_wait3A_143] : memref<2560x128xi32, #tpu.memory_space<hbm>> -> memref<1x128xi32, #tpu.memory_space<hbm>>
        %dma_wait3A_145 = arith.constant 0 : i32
        %dma_wait3A_146 = tpu.memref_slice %arg3[%select_n3A, %dma_wait3A_145] : memref<2560x128xi32, #tpu.memory_space<hbm>> -> memref<1x128xi32, #tpu.memory_space<hbm>>
        tpu.wait_dma2 semaphore(%arg18 : memref<!tpu.dma_semaphore, #tpu.memory_space<semaphore_mem>>) src(%dma_wait3A_146 : memref<1x128xi32, #tpu.memory_space<hbm>>) dst(%arg12 : memref<1x128xi32, #tpu.memory_space<vmem>>)
        %dma_start3A_147 = arith.constant 0 : i32
        %dma_start3A_148 = arith.constant 0 : i32
        %dma_start3A_149 = tpu.memref_slice %arg12[%dma_start3A_147, %dma_start3A_148] : memref<1x128xi32, #tpu.memory_space<vmem>> -> memref<1x128xi32, #tpu.memory_space<vmem>>
        %dma_start3A_150 = tpu.memref_squeeze %dma_start3A_149 : memref<1x128xi32, #tpu.memory_space<vmem>> -> memref<128xi32, #tpu.memory_space<vmem>>
        %dma_start3A_151 = arith.constant 0 : i32
        %dma_start3A_152 = arith.constant 0 : i32
        %dma_start3A_153 = tpu.memref_slice %arg2[%dma_start3A_151, %dma_start3A_152] : memref<10240x128xf32, #tpu.memory_space<hbm>> -> memref<10240x128xf32, #tpu.memory_space<hbm>>
        tpu.enqueue_indirect_dma source(%dma_start3A_153 : memref<10240x128xf32, #tpu.memory_space<hbm>>) target(%arg9 : memref<128x128xf32, #tpu.memory_space<vmem>>) offsets(%dma_start3A_150 : memref<128xi32, #tpu.memory_space<vmem>>) semaphore(%arg14 : memref<!tpu.dma_semaphore, #tpu.memory_space<semaphore_mem>>)
      } else {
      }
      %dma_wait3A_90 = arith.constant 0 : i32
      %dma_wait3A_91 = arith.constant 0 : i32
      %dma_wait3A_92 = tpu.memref_slice %arg11[%dma_wait3A_90, %dma_wait3A_91] : memref<1x128xi32, #tpu.memory_space<vmem>> -> memref<1x128xi32, #tpu.memory_space<vmem>>
      %dma_wait3A_93 = tpu.memref_squeeze %dma_wait3A_92 : memref<1x128xi32, #tpu.memory_space<vmem>> -> memref<128xi32, #tpu.memory_space<vmem>>
      %dma_wait3A_94 = arith.constant 0 : i32
      %dma_wait3A_95 = arith.constant 0 : i32
      %dma_wait3A_96 = tpu.memref_slice %arg2[%dma_wait3A_94, %dma_wait3A_95] : memref<10240x128xf32, #tpu.memory_space<hbm>> -> memref<10240x128xf32, #tpu.memory_space<hbm>>
      tpu.wait_indirect_dma semaphore(%arg13 : memref<!tpu.dma_semaphore, #tpu.memory_space<semaphore_mem>>) src(%dma_wait3A_96 : memref<10240x128xf32, #tpu.memory_space<hbm>>) dst(%arg8 : memref<128x128xf32, #tpu.memory_space<vmem>>)
      %dma_start3A_97 = arith.constant 0 : i32
      %dma_start3A_98 = tpu.memref_slice %arg10[%add3A_80, %dma_start3A_97] : memref<120x128xi32, #tpu.memory_space<vmem>> -> memref<1x128xi32, #tpu.memory_space<vmem>>
      %dma_start3A_99 = tpu.memref_squeeze %dma_start3A_98 : memref<1x128xi32, #tpu.memory_space<vmem>> -> memref<128xi32, #tpu.memory_space<vmem>>
      %dma_start3A_100 = arith.constant 0 : i32
      %dma_start3A_101 = arith.constant 0 : i32
      %dma_start3A_102 = tpu.memref_slice %arg7[%dma_start3A_100, %dma_start3A_101] : memref<10240x128xf32, #tpu.memory_space<vmem_shared>> -> memref<10240x128xf32, #tpu.memory_space<vmem_shared>>
      tpu.enqueue_indirect_dma source(%arg8 : memref<128x128xf32, #tpu.memory_space<vmem>>) target(%dma_start3A_102 : memref<10240x128xf32, #tpu.memory_space<vmem_shared>>) offsets(%dma_start3A_99 : memref<128xi32, #tpu.memory_space<vmem>>) semaphore(%arg15 : memref<!tpu.dma_semaphore, #tpu.memory_space<semaphore_mem>>) {add = true}
      %add3A_103 = arith.constant 2 : i32
      %add3A_104 = arith.addi %add3A_80, %add3A_103 : i32
      %lt3A_105 = arith.cmpi slt, %add3A_104, %select_n3A_8 : i32
      %convert_element_type3A_106 = arith.extui %lt3A_105 : i1 to i32
      %cond3A_107 = arith.constant 0 : i32
      %cond3A_108 = arith.cmpi ne, %convert_element_type3A_106, %cond3A_107 : i32
      scf.if %cond3A_108 {
        %add3A_143 = arith.addi %select_n3A, %add3A_80 : i32
        %add3A_144 = arith.constant 2 : i32
        %add3A_145 = arith.addi %add3A_143, %add3A_144 : i32
        %dma_start3A_146 = arith.constant 0 : i32
        %dma_start3A_147 = tpu.memref_slice %arg3[%add3A_145, %dma_start3A_146] : memref<2560x128xi32, #tpu.memory_space<hbm>> -> memref<1x128xi32, #tpu.memory_space<hbm>>
        %dma_start3A_148 = arith.constant 0 : i32
        %dma_start3A_149 = tpu.memref_slice %arg3[%add3A_145, %dma_start3A_148] : memref<2560x128xi32, #tpu.memory_space<hbm>> -> memref<1x128xi32, #tpu.memory_space<hbm>>
        tpu.enqueue_dma source(%dma_start3A_149 : memref<1x128xi32, #tpu.memory_space<hbm>>) target(%arg11 : memref<1x128xi32, #tpu.memory_space<vmem>>) target_semaphore(%arg17 : memref<!tpu.dma_semaphore, #tpu.memory_space<semaphore_mem>>)
      } else {
      }
      %mul3A_109 = arith.constant 2 : i32
      %mul3A_110 = arith.muli %mul3A_109, %add3A_76 : i32
      %add3A_111 = arith.constant 1 : i32
      %add3A_112 = arith.addi %mul3A_110, %add3A_111 : i32
      %gt3A_113 = arith.constant 0 : i32
      %gt3A_114 = arith.cmpi sgt, %add3A_112, %gt3A_113 : i32
      %convert_element_type3A_115 = arith.extui %gt3A_114 : i1 to i32
      %cond3A_116 = arith.constant 0 : i32
      %cond3A_117 = arith.cmpi ne, %convert_element_type3A_115, %cond3A_116 : i32
      scf.if %cond3A_117 {
        %dma_wait3A_143 = arith.constant 0 : i32
        %dma_wait3A_144 = arith.constant 0 : i32
        %dma_wait3A_145 = tpu.memref_slice %arg10[%dma_wait3A_143, %dma_wait3A_144] : memref<120x128xi32, #tpu.memory_space<vmem>> -> memref<1x128xi32, #tpu.memory_space<vmem>>
        %dma_wait3A_146 = tpu.memref_squeeze %dma_wait3A_145 : memref<1x128xi32, #tpu.memory_space<vmem>> -> memref<128xi32, #tpu.memory_space<vmem>>
        %dma_wait3A_147 = arith.constant 0 : i32
        %dma_wait3A_148 = arith.constant 0 : i32
        %dma_wait3A_149 = tpu.memref_slice %arg7[%dma_wait3A_147, %dma_wait3A_148] : memref<10240x128xf32, #tpu.memory_space<vmem_shared>> -> memref<10240x128xf32, #tpu.memory_space<vmem_shared>>
        tpu.wait_indirect_dma semaphore(%arg15 : memref<!tpu.dma_semaphore, #tpu.memory_space<semaphore_mem>>) src(%arg8 : memref<128x128xf32, #tpu.memory_space<vmem>>) dst(%dma_wait3A_149 : memref<10240x128xf32, #tpu.memory_space<vmem_shared>>)
      } else {
      }
      %add3A_118 = arith.constant 1 : i32
      %add3A_119 = arith.addi %add3A_112, %add3A_118 : i32
      %lt3A_120 = arith.cmpi slt, %add3A_119, %select_n3A_8 : i32
      %convert_element_type3A_121 = arith.extui %lt3A_120 : i1 to i32
      %cond3A_122 = arith.constant 0 : i32
      %cond3A_123 = arith.cmpi ne, %convert_element_type3A_121, %cond3A_122 : i32
      scf.if %cond3A_123 {
        %dma_wait3A_143 = arith.constant 0 : i32
        %dma_wait3A_144 = tpu.memref_slice %arg3[%select_n3A, %dma_wait3A_143] : memref<2560x128xi32, #tpu.memory_space<hbm>> -> memref<1x128xi32, #tpu.memory_space<hbm>>
        %dma_wait3A_145 = arith.constant 0 : i32
        %dma_wait3A_146 = tpu.memref_slice %arg3[%select_n3A, %dma_wait3A_145] : memref<2560x128xi32, #tpu.memory_space<hbm>> -> memref<1x128xi32, #tpu.memory_space<hbm>>
        tpu.wait_dma2 semaphore(%arg17 : memref<!tpu.dma_semaphore, #tpu.memory_space<semaphore_mem>>) src(%dma_wait3A_146 : memref<1x128xi32, #tpu.memory_space<hbm>>) dst(%arg11 : memref<1x128xi32, #tpu.memory_space<vmem>>)
        %dma_start3A_147 = arith.constant 0 : i32
        %dma_start3A_148 = arith.constant 0 : i32
        %dma_start3A_149 = tpu.memref_slice %arg11[%dma_start3A_147, %dma_start3A_148] : memref<1x128xi32, #tpu.memory_space<vmem>> -> memref<1x128xi32, #tpu.memory_space<vmem>>
        %dma_start3A_150 = tpu.memref_squeeze %dma_start3A_149 : memref<1x128xi32, #tpu.memory_space<vmem>> -> memref<128xi32, #tpu.memory_space<vmem>>
        %dma_start3A_151 = arith.constant 0 : i32
        %dma_start3A_152 = arith.constant 0 : i32
        %dma_start3A_153 = tpu.memref_slice %arg2[%dma_start3A_151, %dma_start3A_152] : memref<10240x128xf32, #tpu.memory_space<hbm>> -> memref<10240x128xf32, #tpu.memory_space<hbm>>
        tpu.enqueue_indirect_dma source(%dma_start3A_153 : memref<10240x128xf32, #tpu.memory_space<hbm>>) target(%arg8 : memref<128x128xf32, #tpu.memory_space<vmem>>) offsets(%dma_start3A_150 : memref<128xi32, #tpu.memory_space<vmem>>) semaphore(%arg13 : memref<!tpu.dma_semaphore, #tpu.memory_space<semaphore_mem>>)
      } else {
      }
      %dma_wait3A_124 = arith.constant 0 : i32
      %dma_wait3A_125 = arith.constant 0 : i32
      %dma_wait3A_126 = tpu.memref_slice %arg12[%dma_wait3A_124, %dma_wait3A_125] : memref<1x128xi32, #tpu.memory_space<vmem>> -> memref<1x128xi32, #tpu.memory_space<vmem>>
      %dma_wait3A_127 = tpu.memref_squeeze %dma_wait3A_126 : memref<1x128xi32, #tpu.memory_space<vmem>> -> memref<128xi32, #tpu.memory_space<vmem>>
      %dma_wait3A_128 = arith.constant 0 : i32
      %dma_wait3A_129 = arith.constant 0 : i32
      %dma_wait3A_130 = tpu.memref_slice %arg2[%dma_wait3A_128, %dma_wait3A_129] : memref<10240x128xf32, #tpu.memory_space<hbm>> -> memref<10240x128xf32, #tpu.memory_space<hbm>>
      tpu.wait_indirect_dma semaphore(%arg14 : memref<!tpu.dma_semaphore, #tpu.memory_space<semaphore_mem>>) src(%dma_wait3A_130 : memref<10240x128xf32, #tpu.memory_space<hbm>>) dst(%arg9 : memref<128x128xf32, #tpu.memory_space<vmem>>)
      %dma_start3A_131 = arith.constant 0 : i32
      %dma_start3A_132 = tpu.memref_slice %arg10[%add3A_112, %dma_start3A_131] : memref<120x128xi32, #tpu.memory_space<vmem>> -> memref<1x128xi32, #tpu.memory_space<vmem>>
      %dma_start3A_133 = tpu.memref_squeeze %dma_start3A_132 : memref<1x128xi32, #tpu.memory_space<vmem>> -> memref<128xi32, #tpu.memory_space<vmem>>
      %dma_start3A_134 = arith.constant 0 : i32
      %dma_start3A_135 = arith.constant 0 : i32
      %dma_start3A_136 = tpu.memref_slice %arg7[%dma_start3A_134, %dma_start3A_135] : memref<10240x128xf32, #tpu.memory_space<vmem_shared>> -> memref<10240x128xf32, #tpu.memory_space<vmem_shared>>
      tpu.enqueue_indirect_dma source(%arg9 : memref<128x128xf32, #tpu.memory_space<vmem>>) target(%dma_start3A_136 : memref<10240x128xf32, #tpu.memory_space<vmem_shared>>) offsets(%dma_start3A_133 : memref<128xi32, #tpu.memory_space<vmem>>) semaphore(%arg16 : memref<!tpu.dma_semaphore, #tpu.memory_space<semaphore_mem>>) {add = true}
      %add3A_137 = arith.constant 2 : i32
      %add3A_138 = arith.addi %add3A_112, %add3A_137 : i32
      %lt3A_139 = arith.cmpi slt, %add3A_138, %select_n3A_8 : i32
      %convert_element_type3A_140 = arith.extui %lt3A_139 : i1 to i32
      %cond3A_141 = arith.constant 0 : i32
      %cond3A_142 = arith.cmpi ne, %convert_element_type3A_140, %cond3A_141 : i32
      scf.if %cond3A_142 {
        %add3A_143 = arith.addi %select_n3A, %add3A_112 : i32
        %add3A_144 = arith.constant 2 : i32
        %add3A_145 = arith.addi %add3A_143, %add3A_144 : i32
        %dma_start3A_146 = arith.constant 0 : i32
        %dma_start3A_147 = tpu.memref_slice %arg3[%add3A_145, %dma_start3A_146] : memref<2560x128xi32, #tpu.memory_space<hbm>> -> memref<1x128xi32, #tpu.memory_space<hbm>>
        %dma_start3A_148 = arith.constant 0 : i32
        %dma_start3A_149 = tpu.memref_slice %arg3[%add3A_145, %dma_start3A_148] : memref<2560x128xi32, #tpu.memory_space<hbm>> -> memref<1x128xi32, #tpu.memory_space<hbm>>
        tpu.enqueue_dma source(%dma_start3A_149 : memref<1x128xi32, #tpu.memory_space<hbm>>) target(%arg12 : memref<1x128xi32, #tpu.memory_space<vmem>>) target_semaphore(%arg18 : memref<!tpu.dma_semaphore, #tpu.memory_space<semaphore_mem>>)
      } else {
      }
    }
    %dma_wait3A = arith.constant 0 : i32
    %dma_wait3A_67 = arith.constant 0 : i32
    %dma_wait3A_68 = tpu.memref_slice %arg10[%dma_wait3A, %dma_wait3A_67] : memref<120x128xi32, #tpu.memory_space<vmem>> -> memref<1x128xi32, #tpu.memory_space<vmem>>
    %dma_wait3A_69 = tpu.memref_squeeze %dma_wait3A_68 : memref<1x128xi32, #tpu.memory_space<vmem>> -> memref<128xi32, #tpu.memory_space<vmem>>
    %dma_wait3A_70 = arith.constant 0 : i32
    %dma_wait3A_71 = arith.constant 0 : i32
    %dma_wait3A_72 = tpu.memref_slice %arg7[%dma_wait3A_70, %dma_wait3A_71] : memref<10240x128xf32, #tpu.memory_space<vmem_shared>> -> memref<10240x128xf32, #tpu.memory_space<vmem_shared>>
    tpu.wait_indirect_dma semaphore(%arg16 : memref<!tpu.dma_semaphore, #tpu.memory_space<semaphore_mem>>) src(%arg9 : memref<128x128xf32, #tpu.memory_space<vmem>>) dst(%dma_wait3A_72 : memref<10240x128xf32, #tpu.memory_space<vmem_shared>>)
    %barrier3A_73 = arith.constant 0 : index
    tpu.barrier barrier_id(%barrier3A_73)
    "tpu.region"() ({
      %run_scoped3A = tpu.sem_alloc : memref<!tpu.dma_semaphore, #tpu.memory_space<semaphore_mem>>
      %dma_start3A_74 = arith.constant 0 : i32
      %dma_start3A_75 = tpu.memref_slice %arg6[%arg0, %mul3A_10, %dma_start3A_74] : memref<2x10240x128xf32, #tpu.memory_space<hbm>> -> memref<1x640x128xf32, #tpu.memory_space<hbm>>
      %dma_start3A_76 = tpu.memref_squeeze %dma_start3A_75 : memref<1x640x128xf32, #tpu.memory_space<hbm>> -> memref<640x128xf32, #tpu.memory_space<hbm>>
      %dma_start3A_77 = arith.constant 0 : i32
      %dma_start3A_78 = tpu.memref_slice %arg7[%mul3A_10, %dma_start3A_77] : memref<10240x128xf32, #tpu.memory_space<vmem_shared>> -> memref<640x128xf32, #tpu.memory_space<vmem_shared>>
      tpu.enqueue_dma source(%dma_start3A_78 : memref<640x128xf32, #tpu.memory_space<vmem_shared>>) target(%dma_start3A_76 : memref<640x128xf32, #tpu.memory_space<hbm>>) target_semaphore(%run_scoped3A : memref<!tpu.dma_semaphore, #tpu.memory_space<semaphore_mem>>)
      %dma_wait3A_79 = arith.constant 0 : i32
      %dma_wait3A_80 = tpu.memref_slice %arg6[%arg0, %mul3A_10, %dma_wait3A_79] : memref<2x10240x128xf32, #tpu.memory_space<hbm>> -> memref<1x640x128xf32, #tpu.memory_space<hbm>>
      %dma_wait3A_81 = tpu.memref_squeeze %dma_wait3A_80 : memref<1x640x128xf32, #tpu.memory_space<hbm>> -> memref<640x128xf32, #tpu.memory_space<hbm>>
      %dma_wait3A_82 = arith.constant 0 : i32
      %dma_wait3A_83 = tpu.memref_slice %arg7[%mul3A_10, %dma_wait3A_82] : memref<10240x128xf32, #tpu.memory_space<vmem_shared>> -> memref<640x128xf32, #tpu.memory_space<vmem_shared>>
      tpu.wait_dma2 semaphore(%run_scoped3A : memref<!tpu.dma_semaphore, #tpu.memory_space<semaphore_mem>>) src(%dma_wait3A_83 : memref<640x128xf32, #tpu.memory_space<vmem_shared>>) dst(%dma_wait3A_81 : memref<640x128xf32, #tpu.memory_space<hbm>>)
      tpu.yield
    }) : () -> ()
    return
  }
}

#map = affine_map<(d0, d1) -> (0, 0)>
#map1 = affine_map<(d0, d1) -> (0, 0, 0)>
module attributes {stable_mosaic.version = 14 : i64} {
  func.func @k(%arg0: i32, %arg1: i32, %arg2: memref<10240x128xf32, #tpu.memory_space<hbm>>, %arg3: memref<2560x128xi32, #tpu.memory_space<hbm>>, %arg4: memref<2560x128xi32, #tpu.memory_space<hbm>>, %arg5: memref<640x128xf32, #tpu.memory_space<hbm>>, %arg6: memref<2x10240x128xf32, #tpu.memory_space<hbm>>, %arg7: memref<10240x128xf32, #tpu.memory_space<vmem_shared>>, %arg8: memref<128x128xf32, #tpu.memory_space<vmem>>, %arg9: memref<128x128xf32, #tpu.memory_space<vmem>>, %arg10: memref<120x128xi32, #tpu.memory_space<vmem>>, %arg11: memref<1x128xi32, #tpu.memory_space<vmem>>, %arg12: memref<1x128xi32, #tpu.memory_space<vmem>>, %arg13: memref<!tpu.dma_semaphore, #tpu.memory_space<semaphore_mem>>, %arg14: memref<!tpu.dma_semaphore, #tpu.memory_space<semaphore_mem>>, %arg15: memref<!tpu.dma_semaphore, #tpu.memory_space<semaphore_mem>>, %arg16: memref<!tpu.dma_semaphore, #tpu.memory_space<semaphore_mem>>, %arg17: memref<!tpu.dma_semaphore, #tpu.memory_space<semaphore_mem>>, %arg18: memref<!tpu.dma_semaphore, #tpu.memory_space<semaphore_mem>>) attributes {dimension_semantics = [#tpu.dimension_semantics<core_parallel>, #tpu.dimension_semantics<subcore_parallel>], iteration_bounds = array<i64: 2, 16>, scalar_prefetch = 0 : i64, scratch_operands = 12 : i64, tpu.core_type = #tpu.core_type<sc_vector_subcore>, window_params = [{transform_indices = #map}, {transform_indices = #map}, {transform_indices = #map}, {transform_indices = #map}, {transform_indices = #map1}]} {
    %eq3A = arith.constant 0 : i32
    %eq3A_0 = arith.cmpi eq, %arg0, %eq3A : i32
    %mul3A = arith.constant 120 : i32
    %mul3A_1 = arith.muli %arg1, %mul3A : i32
    %mul3A_2 = arith.constant 40 : i32
    %mul3A_3 = arith.muli %arg1, %mul3A_2 : i32
    %add3A = arith.constant 1920 : i32
    %add3A_4 = arith.addi %add3A, %mul3A_3 : i32
    %select_n3A = arith.select %eq3A_0, %mul3A_1, %add3A_4 : i32
    %eq3A_5 = arith.constant 0 : i32
    %eq3A_6 = arith.cmpi eq, %arg0, %eq3A_5 : i32
    %jit3A = arith.constant 120 : i32
    %jit3A_7 = arith.constant 40 : i32
    %select_n3A_8 = arith.select %eq3A_6, %jit3A, %jit3A_7 : i32
    %mul3A_9 = arith.constant 640 : i32
    %mul3A_10 = arith.muli %arg1, %mul3A_9 : i32
    %eq3A_11 = arith.constant 0 : i32
    %eq3A_12 = arith.cmpi eq, %arg0, %eq3A_11 : i32
    %convert_element_type3A = arith.extui %eq3A_12 : i1 to i32
    %cond3A = arith.constant 0 : i32
    %cond3A_13 = arith.cmpi ne, %convert_element_type3A, %cond3A : i32
    scf.if %cond3A_13 {
      "tpu.region"() ({
        %run_scoped3A = tpu.sem_alloc : memref<!tpu.dma_semaphore, #tpu.memory_space<semaphore_mem>>
        %dma_start3A_74 = arith.constant 0 : i32
        %dma_start3A_75 = arith.constant 0 : i32
        %dma_start3A_76 = tpu.memref_slice %arg10[%dma_start3A_74, %dma_start3A_75] : memref<120x128xi32, #tpu.memory_space<vmem>> -> memref<120x128xi32, #tpu.memory_space<vmem>>
        %dma_start3A_77 = arith.constant 0 : i32
        %dma_start3A_78 = tpu.memref_slice %arg4[%select_n3A, %dma_start3A_77] : memref<2560x128xi32, #tpu.memory_space<hbm>> -> memref<120x128xi32, #tpu.memory_space<hbm>>
        %dma_start3A_79 = arith.constant 0 : i32
        %dma_start3A_80 = arith.constant 0 : i32
        %dma_start3A_81 = tpu.memref_slice %arg10[%dma_start3A_79, %dma_start3A_80] : memref<120x128xi32, #tpu.memory_space<vmem>> -> memref<120x128xi32, #tpu.memory_space<vmem>>
        %dma_start3A_82 = arith.constant 0 : i32
        %dma_start3A_83 = tpu.memref_slice %arg4[%select_n3A, %dma_start3A_82] : memref<2560x128xi32, #tpu.memory_space<hbm>> -> memref<120x128xi32, #tpu.memory_space<hbm>>
        tpu.enqueue_dma source(%dma_start3A_83 : memref<120x128xi32, #tpu.memory_space<hbm>>) target(%dma_start3A_81 : memref<120x128xi32, #tpu.memory_space<vmem>>) target_semaphore(%run_scoped3A : memref<!tpu.dma_semaphore, #tpu.memory_space<semaphore_mem>>)
        %dma_wait3A_84 = arith.constant 0 : i32
        %dma_wait3A_85 = arith.constant 0 : i32
        %dma_wait3A_86 = tpu.memref_slice %arg10[%dma_wait3A_84, %dma_wait3A_85] : memref<120x128xi32, #tpu.memory_space<vmem>> -> memref<120x128xi32, #tpu.memory_space<vmem>>
        %dma_wait3A_87 = arith.constant 0 : i32
        %dma_wait3A_88 = tpu.memref_slice %arg4[%select_n3A, %dma_wait3A_87] : memref<2560x128xi32, #tpu.memory_space<hbm>> -> memref<120x128xi32, #tpu.memory_space<hbm>>
        %dma_wait3A_89 = arith.constant 0 : i32
        %dma_wait3A_90 = arith.constant 0 : i32
        %dma_wait3A_91 = tpu.memref_slice %arg10[%dma_wait3A_89, %dma_wait3A_90] : memref<120x128xi32, #tpu.memory_space<vmem>> -> memref<120x128xi32, #tpu.memory_space<vmem>>
        %dma_wait3A_92 = arith.constant 0 : i32
        %dma_wait3A_93 = tpu.memref_slice %arg4[%select_n3A, %dma_wait3A_92] : memref<2560x128xi32, #tpu.memory_space<hbm>> -> memref<120x128xi32, #tpu.memory_space<hbm>>
        tpu.wait_dma2 semaphore(%run_scoped3A : memref<!tpu.dma_semaphore, #tpu.memory_space<semaphore_mem>>) src(%dma_wait3A_93 : memref<120x128xi32, #tpu.memory_space<hbm>>) dst(%dma_wait3A_91 : memref<120x128xi32, #tpu.memory_space<vmem>>)
        tpu.yield
      }) : () -> ()
    } else {
    }
    %eq3A_14 = arith.constant 1 : i32
    %eq3A_15 = arith.cmpi eq, %arg0, %eq3A_14 : i32
    %convert_element_type3A_16 = arith.extui %eq3A_15 : i1 to i32
    %cond3A_17 = arith.constant 0 : i32
    %cond3A_18 = arith.cmpi ne, %convert_element_type3A_16, %cond3A_17 : i32
    scf.if %cond3A_18 {
      "tpu.region"() ({
        %run_scoped3A = tpu.sem_alloc : memref<!tpu.dma_semaphore, #tpu.memory_space<semaphore_mem>>
        %dma_start3A_74 = arith.constant 0 : i32
        %dma_start3A_75 = arith.constant 0 : i32
        %dma_start3A_76 = tpu.memref_slice %arg10[%dma_start3A_74, %dma_start3A_75] : memref<120x128xi32, #tpu.memory_space<vmem>> -> memref<40x128xi32, #tpu.memory_space<vmem>>
        %dma_start3A_77 = arith.constant 0 : i32
        %dma_start3A_78 = tpu.memref_slice %arg4[%select_n3A, %dma_start3A_77] : memref<2560x128xi32, #tpu.memory_space<hbm>> -> memref<40x128xi32, #tpu.memory_space<hbm>>
        %dma_start3A_79 = arith.constant 0 : i32
        %dma_start3A_80 = arith.constant 0 : i32
        %dma_start3A_81 = tpu.memref_slice %arg10[%dma_start3A_79, %dma_start3A_80] : memref<120x128xi32, #tpu.memory_space<vmem>> -> memref<40x128xi32, #tpu.memory_space<vmem>>
        %dma_start3A_82 = arith.constant 0 : i32
        %dma_start3A_83 = tpu.memref_slice %arg4[%select_n3A, %dma_start3A_82] : memref<2560x128xi32, #tpu.memory_space<hbm>> -> memref<40x128xi32, #tpu.memory_space<hbm>>
        tpu.enqueue_dma source(%dma_start3A_83 : memref<40x128xi32, #tpu.memory_space<hbm>>) target(%dma_start3A_81 : memref<40x128xi32, #tpu.memory_space<vmem>>) target_semaphore(%run_scoped3A : memref<!tpu.dma_semaphore, #tpu.memory_space<semaphore_mem>>)
        %dma_wait3A_84 = arith.constant 0 : i32
        %dma_wait3A_85 = arith.constant 0 : i32
        %dma_wait3A_86 = tpu.memref_slice %arg10[%dma_wait3A_84, %dma_wait3A_85] : memref<120x128xi32, #tpu.memory_space<vmem>> -> memref<40x128xi32, #tpu.memory_space<vmem>>
        %dma_wait3A_87 = arith.constant 0 : i32
        %dma_wait3A_88 = tpu.memref_slice %arg4[%select_n3A, %dma_wait3A_87] : memref<2560x128xi32, #tpu.memory_space<hbm>> -> memref<40x128xi32, #tpu.memory_space<hbm>>
        %dma_wait3A_89 = arith.constant 0 : i32
        %dma_wait3A_90 = arith.constant 0 : i32
        %dma_wait3A_91 = tpu.memref_slice %arg10[%dma_wait3A_89, %dma_wait3A_90] : memref<120x128xi32, #tpu.memory_space<vmem>> -> memref<40x128xi32, #tpu.memory_space<vmem>>
        %dma_wait3A_92 = arith.constant 0 : i32
        %dma_wait3A_93 = tpu.memref_slice %arg4[%select_n3A, %dma_wait3A_92] : memref<2560x128xi32, #tpu.memory_space<hbm>> -> memref<40x128xi32, #tpu.memory_space<hbm>>
        tpu.wait_dma2 semaphore(%run_scoped3A : memref<!tpu.dma_semaphore, #tpu.memory_space<semaphore_mem>>) src(%dma_wait3A_93 : memref<40x128xi32, #tpu.memory_space<hbm>>) dst(%dma_wait3A_91 : memref<40x128xi32, #tpu.memory_space<vmem>>)
        tpu.yield
      }) : () -> ()
    } else {
    }
    "tpu.region"() ({
      %run_scoped3A = tpu.sem_alloc : memref<!tpu.dma_semaphore, #tpu.memory_space<semaphore_mem>>
      %dma_start3A_74 = arith.constant 0 : i32
      %dma_start3A_75 = tpu.memref_slice %arg3[%select_n3A, %dma_start3A_74] : memref<2560x128xi32, #tpu.memory_space<hbm>> -> memref<1x128xi32, #tpu.memory_space<hbm>>
      %dma_start3A_76 = arith.constant 0 : i32
      %dma_start3A_77 = tpu.memref_slice %arg3[%select_n3A, %dma_start3A_76] : memref<2560x128xi32, #tpu.memory_space<hbm>> -> memref<1x128xi32, #tpu.memory_space<hbm>>
      tpu.enqueue_dma source(%dma_start3A_77 : memref<1x128xi32, #tpu.memory_space<hbm>>) target(%arg11 : memref<1x128xi32, #tpu.memory_space<vmem>>) target_semaphore(%run_scoped3A : memref<!tpu.dma_semaphore, #tpu.memory_space<semaphore_mem>>)
      %dma_wait3A_78 = arith.constant 0 : i32
      %dma_wait3A_79 = tpu.memref_slice %arg3[%select_n3A, %dma_wait3A_78] : memref<2560x128xi32, #tpu.memory_space<hbm>> -> memref<1x128xi32, #tpu.memory_space<hbm>>
      %dma_wait3A_80 = arith.constant 0 : i32
      %dma_wait3A_81 = tpu.memref_slice %arg3[%select_n3A, %dma_wait3A_80] : memref<2560x128xi32, #tpu.memory_space<hbm>> -> memref<1x128xi32, #tpu.memory_space<hbm>>
      tpu.wait_dma2 semaphore(%run_scoped3A : memref<!tpu.dma_semaphore, #tpu.memory_space<semaphore_mem>>) src(%dma_wait3A_81 : memref<1x128xi32, #tpu.memory_space<hbm>>) dst(%arg11 : memref<1x128xi32, #tpu.memory_space<vmem>>)
      tpu.yield
    }) : () -> ()
    %dma_start3A = arith.constant 0 : i32
    %dma_start3A_19 = arith.constant 0 : i32
    %dma_start3A_20 = tpu.memref_slice %arg11[%dma_start3A, %dma_start3A_19] : memref<1x128xi32, #tpu.memory_space<vmem>> -> memref<1x128xi32, #tpu.memory_space<vmem>>
    %dma_start3A_21 = tpu.memref_squeeze %dma_start3A_20 : memref<1x128xi32, #tpu.memory_space<vmem>> -> memref<128xi32, #tpu.memory_space<vmem>>
    %dma_start3A_22 = arith.constant 0 : i32
    %dma_start3A_23 = arith.constant 0 : i32
    %dma_start3A_24 = tpu.memref_slice %arg2[%dma_start3A_22, %dma_start3A_23] : memref<10240x128xf32, #tpu.memory_space<hbm>> -> memref<10240x128xf32, #tpu.memory_space<hbm>>
    tpu.enqueue_indirect_dma source(%dma_start3A_24 : memref<10240x128xf32, #tpu.memory_space<hbm>>) target(%arg8 : memref<128x128xf32, #tpu.memory_space<vmem>>) offsets(%dma_start3A_21 : memref<128xi32, #tpu.memory_space<vmem>>) semaphore(%arg13 : memref<!tpu.dma_semaphore, #tpu.memory_space<semaphore_mem>>)
    %add3A_25 = arith.constant 1 : i32
    %add3A_26 = arith.addi %select_n3A, %add3A_25 : i32
    %dma_start3A_27 = arith.constant 0 : i32
    %dma_start3A_28 = tpu.memref_slice %arg3[%add3A_26, %dma_start3A_27] : memref<2560x128xi32, #tpu.memory_space<hbm>> -> memref<1x128xi32, #tpu.memory_space<hbm>>
    %dma_start3A_29 = arith.constant 0 : i32
    %dma_start3A_30 = tpu.memref_slice %arg3[%add3A_26, %dma_start3A_29] : memref<2560x128xi32, #tpu.memory_space<hbm>> -> memref<1x128xi32, #tpu.memory_space<hbm>>
    tpu.enqueue_dma source(%dma_start3A_30 : memref<1x128xi32, #tpu.memory_space<hbm>>) target(%arg12 : memref<1x128xi32, #tpu.memory_space<vmem>>) target_semaphore(%arg18 : memref<!tpu.dma_semaphore, #tpu.memory_space<semaphore_mem>>)
    "tpu.region"() ({
      %run_scoped3A = tpu.sem_alloc : memref<!tpu.dma_semaphore, #tpu.memory_space<semaphore_mem>>
      %dma_start3A_74 = arith.constant 0 : i32
      %dma_start3A_75 = tpu.memref_slice %arg7[%mul3A_10, %dma_start3A_74] : memref<10240x128xf32, #tpu.memory_space<vmem_shared>> -> memref<640x128xf32, #tpu.memory_space<vmem_shared>>
      tpu.enqueue_dma source(%arg5 : memref<640x128xf32, #tpu.memory_space<hbm>>) target(%dma_start3A_75 : memref<640x128xf32, #tpu.memory_space<vmem_shared>>) target_semaphore(%run_scoped3A : memref<!tpu.dma_semaphore, #tpu.memory_space<semaphore_mem>>)
      %dma_wait3A_76 = arith.constant 0 : i32
      %dma_wait3A_77 = tpu.memref_slice %arg7[%mul3A_10, %dma_wait3A_76] : memref<10240x128xf32, #tpu.memory_space<vmem_shared>> -> memref<640x128xf32, #tpu.memory_space<vmem_shared>>
      tpu.wait_dma2 semaphore(%run_scoped3A : memref<!tpu.dma_semaphore, #tpu.memory_space<semaphore_mem>>) src(%arg5 : memref<640x128xf32, #tpu.memory_space<hbm>>) dst(%dma_wait3A_77 : memref<640x128xf32, #tpu.memory_space<vmem_shared>>)
      tpu.yield
    }) : () -> ()
    %barrier3A = arith.constant 0 : index
    tpu.barrier barrier_id(%barrier3A)
    %jit3A_31 = arith.constant 2 : i32
    %div3A = arith.divsi %select_n3A_8, %jit3A_31 : i32
    %sign3A = arith.constant 0 : i32
    %sign3A_32 = arith.cmpi sgt, %select_n3A_8, %sign3A : i32
    %sign3A_33 = arith.extui %sign3A_32 : i1 to i32
    %sign3A_34 = arith.constant 0 : i32
    %sign3A_35 = arith.cmpi slt, %select_n3A_8, %sign3A_34 : i32
    %sign3A_36 = arith.extui %sign3A_35 : i1 to i32
    %sign3A_37 = arith.subi %sign3A_33, %sign3A_36 : i32
    %sign3A_38 = arith.constant 0 : i32
    %sign3A_39 = arith.cmpi sgt, %jit3A_31, %sign3A_38 : i32
    %sign3A_40 = arith.extui %sign3A_39 : i1 to i32
    %sign3A_41 = arith.constant 0 : i32
    %sign3A_42 = arith.cmpi slt, %jit3A_31, %sign3A_41 : i32
    %sign3A_43 = arith.extui %sign3A_42 : i1 to i32
    %sign3A_44 = arith.subi %sign3A_40, %sign3A_43 : i32
    %ne3A = arith.cmpi ne, %sign3A_37, %sign3A_44 : i32
    %rem3A = arith.remsi %select_n3A_8, %jit3A_31 : i32
    %ne3A_45 = arith.constant 0 : i32
    %ne3A_46 = arith.cmpi ne, %rem3A, %ne3A_45 : i32
    %and3A = arith.andi %ne3A, %ne3A_46 : i1
    %sub3A = arith.constant 1 : i32
    %sub3A_47 = arith.subi %div3A, %sub3A : i32
    %select_n3A_48 = arith.select %and3A, %sub3A_47, %div3A : i32
    %sub3A_49 = arith.constant 0 : i32
    %sub3A_50 = arith.subi %select_n3A_48, %sub3A_49 : i32
    %sub3A_51 = arith.constant 1 : i32
    %sub3A_52 = arith.constant 1 : i32
    %sub3A_53 = arith.subi %sub3A_51, %sub3A_52 : i32
    %add3A_54 = arith.addi %sub3A_50, %sub3A_53 : i32
    %div3A_55 = arith.constant 1 : i32
    %div3A_56 = arith.divsi %add3A_54, %div3A_55 : i32
    %while3A = arith.constant 1 : i32
    %while3A_57 = arith.constant 0 : i32
    %while3A_58 = arith.constant 0 : i32
    %while3A_59 = arith.subi %div3A_56, %while3A_58 : i32
    %while3A_60 = arith.addi %while3A_58, %while3A_59 : i32
    %while3A_61 = arith.constant 1 : i32
    %while3A_62 = arith.divsi %while3A_59, %while3A_61 : i32
    %while3A_63 = arith.muli %while3A_62, %while3A_61 : i32
    %while3A_64 = arith.addi %while3A_58, %while3A_63 : i32
    %while3A_65 = arith.constant 1 : i32
    scf.for %while3A_74 = %while3A_58 to %while3A_64 step %while3A_65  : i32 {
      %mul3A_75 = arith.muli %while3A_74, %while3A : i32
      %add3A_76 = arith.addi %while3A_57, %mul3A_75 : i32
      %mul3A_77 = arith.constant 2 : i32
      %mul3A_78 = arith.muli %mul3A_77, %add3A_76 : i32
      %add3A_79 = arith.constant 0 : i32
      %add3A_80 = arith.addi %mul3A_78, %add3A_79 : i32
      %gt3A = arith.constant 0 : i32
      %gt3A_81 = arith.cmpi sgt, %add3A_80, %gt3A : i32
      %convert_element_type3A_82 = arith.extui %gt3A_81 : i1 to i32
      %cond3A_83 = arith.constant 0 : i32
      %cond3A_84 = arith.cmpi ne, %convert_element_type3A_82, %cond3A_83 : i32
      scf.if %cond3A_84 {
        %dma_wait3A_143 = arith.constant 0 : i32
        %dma_wait3A_144 = arith.constant 0 : i32
        %dma_wait3A_145 = tpu.memref_slice %arg10[%dma_wait3A_143, %dma_wait3A_144] : memref<120x128xi32, #tpu.memory_space<vmem>> -> memref<1x128xi32, #tpu.memory_space<vmem>>
        %dma_wait3A_146 = tpu.memref_squeeze %dma_wait3A_145 : memref<1x128xi32, #tpu.memory_space<vmem>> -> memref<128xi32, #tpu.memory_space<vmem>>
        %dma_wait3A_147 = arith.constant 0 : i32
        %dma_wait3A_148 = arith.constant 0 : i32
        %dma_wait3A_149 = tpu.memref_slice %arg7[%dma_wait3A_147, %dma_wait3A_148] : memref<10240x128xf32, #tpu.memory_space<vmem_shared>> -> memref<10240x128xf32, #tpu.memory_space<vmem_shared>>
        tpu.wait_indirect_dma semaphore(%arg16 : memref<!tpu.dma_semaphore, #tpu.memory_space<semaphore_mem>>) src(%arg9 : memref<128x128xf32, #tpu.memory_space<vmem>>) dst(%dma_wait3A_149 : memref<10240x128xf32, #tpu.memory_space<vmem_shared>>)
      } else {
      }
      %add3A_85 = arith.constant 1 : i32
      %add3A_86 = arith.addi %add3A_80, %add3A_85 : i32
      %lt3A = arith.cmpi slt, %add3A_86, %select_n3A_8 : i32
      %convert_element_type3A_87 = arith.extui %lt3A : i1 to i32
      %cond3A_88 = arith.constant 0 : i32
      %cond3A_89 = arith.cmpi ne, %convert_element_type3A_87, %cond3A_88 : i32
      scf.if %cond3A_89 {
        %dma_wait3A_143 = arith.constant 0 : i32
        %dma_wait3A_144 = tpu.memref_slice %arg3[%select_n3A, %dma_wait3A_143] : memref<2560x128xi32, #tpu.memory_space<hbm>> -> memref<1x128xi32, #tpu.memory_space<hbm>>
        %dma_wait3A_145 = arith.constant 0 : i32
        %dma_wait3A_146 = tpu.memref_slice %arg3[%select_n3A, %dma_wait3A_145] : memref<2560x128xi32, #tpu.memory_space<hbm>> -> memref<1x128xi32, #tpu.memory_space<hbm>>
        tpu.wait_dma2 semaphore(%arg18 : memref<!tpu.dma_semaphore, #tpu.memory_space<semaphore_mem>>) src(%dma_wait3A_146 : memref<1x128xi32, #tpu.memory_space<hbm>>) dst(%arg12 : memref<1x128xi32, #tpu.memory_space<vmem>>)
        %dma_start3A_147 = arith.constant 0 : i32
        %dma_start3A_148 = arith.constant 0 : i32
        %dma_start3A_149 = tpu.memref_slice %arg12[%dma_start3A_147, %dma_start3A_148] : memref<1x128xi32, #tpu.memory_space<vmem>> -> memref<1x128xi32, #tpu.memory_space<vmem>>
        %dma_start3A_150 = tpu.memref_squeeze %dma_start3A_149 : memref<1x128xi32, #tpu.memory_space<vmem>> -> memref<128xi32, #tpu.memory_space<vmem>>
        %dma_start3A_151 = arith.constant 0 : i32
        %dma_start3A_152 = arith.constant 0 : i32
        %dma_start3A_153 = tpu.memref_slice %arg2[%dma_start3A_151, %dma_start3A_152] : memref<10240x128xf32, #tpu.memory_space<hbm>> -> memref<10240x128xf32, #tpu.memory_space<hbm>>
        tpu.enqueue_indirect_dma source(%dma_start3A_153 : memref<10240x128xf32, #tpu.memory_space<hbm>>) target(%arg9 : memref<128x128xf32, #tpu.memory_space<vmem>>) offsets(%dma_start3A_150 : memref<128xi32, #tpu.memory_space<vmem>>) semaphore(%arg14 : memref<!tpu.dma_semaphore, #tpu.memory_space<semaphore_mem>>)
      } else {
      }
      %dma_wait3A_90 = arith.constant 0 : i32
      %dma_wait3A_91 = arith.constant 0 : i32
      %dma_wait3A_92 = tpu.memref_slice %arg11[%dma_wait3A_90, %dma_wait3A_91] : memref<1x128xi32, #tpu.memory_space<vmem>> -> memref<1x128xi32, #tpu.memory_space<vmem>>
      %dma_wait3A_93 = tpu.memref_squeeze %dma_wait3A_92 : memref<1x128xi32, #tpu.memory_space<vmem>> -> memref<128xi32, #tpu.memory_space<vmem>>
      %dma_wait3A_94 = arith.constant 0 : i32
      %dma_wait3A_95 = arith.constant 0 : i32
      %dma_wait3A_96 = tpu.memref_slice %arg2[%dma_wait3A_94, %dma_wait3A_95] : memref<10240x128xf32, #tpu.memory_space<hbm>> -> memref<10240x128xf32, #tpu.memory_space<hbm>>
      tpu.wait_indirect_dma semaphore(%arg13 : memref<!tpu.dma_semaphore, #tpu.memory_space<semaphore_mem>>) src(%dma_wait3A_96 : memref<10240x128xf32, #tpu.memory_space<hbm>>) dst(%arg8 : memref<128x128xf32, #tpu.memory_space<vmem>>)
      %dma_start3A_97 = arith.constant 0 : i32
      %dma_start3A_98 = tpu.memref_slice %arg10[%add3A_80, %dma_start3A_97] : memref<120x128xi32, #tpu.memory_space<vmem>> -> memref<1x128xi32, #tpu.memory_space<vmem>>
      %dma_start3A_99 = tpu.memref_squeeze %dma_start3A_98 : memref<1x128xi32, #tpu.memory_space<vmem>> -> memref<128xi32, #tpu.memory_space<vmem>>
      %dma_start3A_100 = arith.constant 0 : i32
      %dma_start3A_101 = arith.constant 0 : i32
      %dma_start3A_102 = tpu.memref_slice %arg7[%dma_start3A_100, %dma_start3A_101] : memref<10240x128xf32, #tpu.memory_space<vmem_shared>> -> memref<10240x128xf32, #tpu.memory_space<vmem_shared>>
      tpu.enqueue_indirect_dma source(%arg8 : memref<128x128xf32, #tpu.memory_space<vmem>>) target(%dma_start3A_102 : memref<10240x128xf32, #tpu.memory_space<vmem_shared>>) offsets(%dma_start3A_99 : memref<128xi32, #tpu.memory_space<vmem>>) semaphore(%arg15 : memref<!tpu.dma_semaphore, #tpu.memory_space<semaphore_mem>>) {add = true}
      %add3A_103 = arith.constant 2 : i32
      %add3A_104 = arith.addi %add3A_80, %add3A_103 : i32
      %lt3A_105 = arith.cmpi slt, %add3A_104, %select_n3A_8 : i32
      %convert_element_type3A_106 = arith.extui %lt3A_105 : i1 to i32
      %cond3A_107 = arith.constant 0 : i32
      %cond3A_108 = arith.cmpi ne, %convert_element_type3A_106, %cond3A_107 : i32
      scf.if %cond3A_108 {
        %add3A_143 = arith.addi %select_n3A, %add3A_80 : i32
        %add3A_144 = arith.constant 2 : i32
        %add3A_145 = arith.addi %add3A_143, %add3A_144 : i32
        %dma_start3A_146 = arith.constant 0 : i32
        %dma_start3A_147 = tpu.memref_slice %arg3[%add3A_145, %dma_start3A_146] : memref<2560x128xi32, #tpu.memory_space<hbm>> -> memref<1x128xi32, #tpu.memory_space<hbm>>
        %dma_start3A_148 = arith.constant 0 : i32
        %dma_start3A_149 = tpu.memref_slice %arg3[%add3A_145, %dma_start3A_148] : memref<2560x128xi32, #tpu.memory_space<hbm>> -> memref<1x128xi32, #tpu.memory_space<hbm>>
        tpu.enqueue_dma source(%dma_start3A_149 : memref<1x128xi32, #tpu.memory_space<hbm>>) target(%arg11 : memref<1x128xi32, #tpu.memory_space<vmem>>) target_semaphore(%arg17 : memref<!tpu.dma_semaphore, #tpu.memory_space<semaphore_mem>>)
      } else {
      }
      %mul3A_109 = arith.constant 2 : i32
      %mul3A_110 = arith.muli %mul3A_109, %add3A_76 : i32
      %add3A_111 = arith.constant 1 : i32
      %add3A_112 = arith.addi %mul3A_110, %add3A_111 : i32
      %gt3A_113 = arith.constant 0 : i32
      %gt3A_114 = arith.cmpi sgt, %add3A_112, %gt3A_113 : i32
      %convert_element_type3A_115 = arith.extui %gt3A_114 : i1 to i32
      %cond3A_116 = arith.constant 0 : i32
      %cond3A_117 = arith.cmpi ne, %convert_element_type3A_115, %cond3A_116 : i32
      scf.if %cond3A_117 {
        %dma_wait3A_143 = arith.constant 0 : i32
        %dma_wait3A_144 = arith.constant 0 : i32
        %dma_wait3A_145 = tpu.memref_slice %arg10[%dma_wait3A_143, %dma_wait3A_144] : memref<120x128xi32, #tpu.memory_space<vmem>> -> memref<1x128xi32, #tpu.memory_space<vmem>>
        %dma_wait3A_146 = tpu.memref_squeeze %dma_wait3A_145 : memref<1x128xi32, #tpu.memory_space<vmem>> -> memref<128xi32, #tpu.memory_space<vmem>>
        %dma_wait3A_147 = arith.constant 0 : i32
        %dma_wait3A_148 = arith.constant 0 : i32
        %dma_wait3A_149 = tpu.memref_slice %arg7[%dma_wait3A_147, %dma_wait3A_148] : memref<10240x128xf32, #tpu.memory_space<vmem_shared>> -> memref<10240x128xf32, #tpu.memory_space<vmem_shared>>
        tpu.wait_indirect_dma semaphore(%arg15 : memref<!tpu.dma_semaphore, #tpu.memory_space<semaphore_mem>>) src(%arg8 : memref<128x128xf32, #tpu.memory_space<vmem>>) dst(%dma_wait3A_149 : memref<10240x128xf32, #tpu.memory_space<vmem_shared>>)
      } else {
      }
      %add3A_118 = arith.constant 1 : i32
      %add3A_119 = arith.addi %add3A_112, %add3A_118 : i32
      %lt3A_120 = arith.cmpi slt, %add3A_119, %select_n3A_8 : i32
      %convert_element_type3A_121 = arith.extui %lt3A_120 : i1 to i32
      %cond3A_122 = arith.constant 0 : i32
      %cond3A_123 = arith.cmpi ne, %convert_element_type3A_121, %cond3A_122 : i32
      scf.if %cond3A_123 {
        %dma_wait3A_143 = arith.constant 0 : i32
        %dma_wait3A_144 = tpu.memref_slice %arg3[%select_n3A, %dma_wait3A_143] : memref<2560x128xi32, #tpu.memory_space<hbm>> -> memref<1x128xi32, #tpu.memory_space<hbm>>
        %dma_wait3A_145 = arith.constant 0 : i32
        %dma_wait3A_146 = tpu.memref_slice %arg3[%select_n3A, %dma_wait3A_145] : memref<2560x128xi32, #tpu.memory_space<hbm>> -> memref<1x128xi32, #tpu.memory_space<hbm>>
        tpu.wait_dma2 semaphore(%arg17 : memref<!tpu.dma_semaphore, #tpu.memory_space<semaphore_mem>>) src(%dma_wait3A_146 : memref<1x128xi32, #tpu.memory_space<hbm>>) dst(%arg11 : memref<1x128xi32, #tpu.memory_space<vmem>>)
        %dma_start3A_147 = arith.constant 0 : i32
        %dma_start3A_148 = arith.constant 0 : i32
        %dma_start3A_149 = tpu.memref_slice %arg11[%dma_start3A_147, %dma_start3A_148] : memref<1x128xi32, #tpu.memory_space<vmem>> -> memref<1x128xi32, #tpu.memory_space<vmem>>
        %dma_start3A_150 = tpu.memref_squeeze %dma_start3A_149 : memref<1x128xi32, #tpu.memory_space<vmem>> -> memref<128xi32, #tpu.memory_space<vmem>>
        %dma_start3A_151 = arith.constant 0 : i32
        %dma_start3A_152 = arith.constant 0 : i32
        %dma_start3A_153 = tpu.memref_slice %arg2[%dma_start3A_151, %dma_start3A_152] : memref<10240x128xf32, #tpu.memory_space<hbm>> -> memref<10240x128xf32, #tpu.memory_space<hbm>>
        tpu.enqueue_indirect_dma source(%dma_start3A_153 : memref<10240x128xf32, #tpu.memory_space<hbm>>) target(%arg8 : memref<128x128xf32, #tpu.memory_space<vmem>>) offsets(%dma_start3A_150 : memref<128xi32, #tpu.memory_space<vmem>>) semaphore(%arg13 : memref<!tpu.dma_semaphore, #tpu.memory_space<semaphore_mem>>)
      } else {
      }
      %dma_wait3A_124 = arith.constant 0 : i32
      %dma_wait3A_125 = arith.constant 0 : i32
      %dma_wait3A_126 = tpu.memref_slice %arg12[%dma_wait3A_124, %dma_wait3A_125] : memref<1x128xi32, #tpu.memory_space<vmem>> -> memref<1x128xi32, #tpu.memory_space<vmem>>
      %dma_wait3A_127 = tpu.memref_squeeze %dma_wait3A_126 : memref<1x128xi32, #tpu.memory_space<vmem>> -> memref<128xi32, #tpu.memory_space<vmem>>
      %dma_wait3A_128 = arith.constant 0 : i32
      %dma_wait3A_129 = arith.constant 0 : i32
      %dma_wait3A_130 = tpu.memref_slice %arg2[%dma_wait3A_128, %dma_wait3A_129] : memref<10240x128xf32, #tpu.memory_space<hbm>> -> memref<10240x128xf32, #tpu.memory_space<hbm>>
      tpu.wait_indirect_dma semaphore(%arg14 : memref<!tpu.dma_semaphore, #tpu.memory_space<semaphore_mem>>) src(%dma_wait3A_130 : memref<10240x128xf32, #tpu.memory_space<hbm>>) dst(%arg9 : memref<128x128xf32, #tpu.memory_space<vmem>>)
      %dma_start3A_131 = arith.constant 0 : i32
      %dma_start3A_132 = tpu.memref_slice %arg10[%add3A_112, %dma_start3A_131] : memref<120x128xi32, #tpu.memory_space<vmem>> -> memref<1x128xi32, #tpu.memory_space<vmem>>
      %dma_start3A_133 = tpu.memref_squeeze %dma_start3A_132 : memref<1x128xi32, #tpu.memory_space<vmem>> -> memref<128xi32, #tpu.memory_space<vmem>>
      %dma_start3A_134 = arith.constant 0 : i32
      %dma_start3A_135 = arith.constant 0 : i32
      %dma_start3A_136 = tpu.memref_slice %arg7[%dma_start3A_134, %dma_start3A_135] : memref<10240x128xf32, #tpu.memory_space<vmem_shared>> -> memref<10240x128xf32, #tpu.memory_space<vmem_shared>>
      tpu.enqueue_indirect_dma source(%arg9 : memref<128x128xf32, #tpu.memory_space<vmem>>) target(%dma_start3A_136 : memref<10240x128xf32, #tpu.memory_space<vmem_shared>>) offsets(%dma_start3A_133 : memref<128xi32, #tpu.memory_space<vmem>>) semaphore(%arg16 : memref<!tpu.dma_semaphore, #tpu.memory_space<semaphore_mem>>) {add = true}
      %add3A_137 = arith.constant 2 : i32
      %add3A_138 = arith.addi %add3A_112, %add3A_137 : i32
      %lt3A_139 = arith.cmpi slt, %add3A_138, %select_n3A_8 : i32
      %convert_element_type3A_140 = arith.extui %lt3A_139 : i1 to i32
      %cond3A_141 = arith.constant 0 : i32
      %cond3A_142 = arith.cmpi ne, %convert_element_type3A_140, %cond3A_141 : i32
      scf.if %cond3A_142 {
        %add3A_143 = arith.addi %select_n3A, %add3A_112 : i32
        %add3A_144 = arith.constant 2 : i32
        %add3A_145 = arith.addi %add3A_143, %add3A_144 : i32
        %dma_start3A_146 = arith.constant 0 : i32
        %dma_start3A_147 = tpu.memref_slice %arg3[%add3A_145, %dma_start3A_146] : memref<2560x128xi32, #tpu.memory_space<hbm>> -> memref<1x128xi32, #tpu.memory_space<hbm>>
        %dma_start3A_148 = arith.constant 0 : i32
        %dma_start3A_149 = tpu.memref_slice %arg3[%add3A_145, %dma_start3A_148] : memref<2560x128xi32, #tpu.memory_space<hbm>> -> memref<1x128xi32, #tpu.memory_space<hbm>>
        tpu.enqueue_dma source(%dma_start3A_149 : memref<1x128xi32, #tpu.memory_space<hbm>>) target(%arg12 : memref<1x128xi32, #tpu.memory_space<vmem>>) target_semaphore(%arg18 : memref<!tpu.dma_semaphore, #tpu.memory_space<semaphore_mem>>)
      } else {
      }
    }
    %while3A_66 = arith.constant 1 : i32
    scf.for %while3A_74 = %while3A_64 to %while3A_60 step %while3A_66  : i32 {
      %mul3A_75 = arith.muli %while3A_74, %while3A : i32
      %add3A_76 = arith.addi %while3A_57, %mul3A_75 : i32
      %mul3A_77 = arith.constant 2 : i32
      %mul3A_78 = arith.muli %mul3A_77, %add3A_76 : i32
      %add3A_79 = arith.constant 0 : i32
      %add3A_80 = arith.addi %mul3A_78, %add3A_79 : i32
      %gt3A = arith.constant 0 : i32
      %gt3A_81 = arith.cmpi sgt, %add3A_80, %gt3A : i32
      %convert_element_type3A_82 = arith.extui %gt3A_81 : i1 to i32
      %cond3A_83 = arith.constant 0 : i32
      %cond3A_84 = arith.cmpi ne, %convert_element_type3A_82, %cond3A_83 : i32
      scf.if %cond3A_84 {
        %dma_wait3A_143 = arith.constant 0 : i32
        %dma_wait3A_144 = arith.constant 0 : i32
        %dma_wait3A_145 = tpu.memref_slice %arg10[%dma_wait3A_143, %dma_wait3A_144] : memref<120x128xi32, #tpu.memory_space<vmem>> -> memref<1x128xi32, #tpu.memory_space<vmem>>
        %dma_wait3A_146 = tpu.memref_squeeze %dma_wait3A_145 : memref<1x128xi32, #tpu.memory_space<vmem>> -> memref<128xi32, #tpu.memory_space<vmem>>
        %dma_wait3A_147 = arith.constant 0 : i32
        %dma_wait3A_148 = arith.constant 0 : i32
        %dma_wait3A_149 = tpu.memref_slice %arg7[%dma_wait3A_147, %dma_wait3A_148] : memref<10240x128xf32, #tpu.memory_space<vmem_shared>> -> memref<10240x128xf32, #tpu.memory_space<vmem_shared>>
        tpu.wait_indirect_dma semaphore(%arg16 : memref<!tpu.dma_semaphore, #tpu.memory_space<semaphore_mem>>) src(%arg9 : memref<128x128xf32, #tpu.memory_space<vmem>>) dst(%dma_wait3A_149 : memref<10240x128xf32, #tpu.memory_space<vmem_shared>>)
      } else {
      }
      %add3A_85 = arith.constant 1 : i32
      %add3A_86 = arith.addi %add3A_80, %add3A_85 : i32
      %lt3A = arith.cmpi slt, %add3A_86, %select_n3A_8 : i32
      %convert_element_type3A_87 = arith.extui %lt3A : i1 to i32
      %cond3A_88 = arith.constant 0 : i32
      %cond3A_89 = arith.cmpi ne, %convert_element_type3A_87, %cond3A_88 : i32
      scf.if %cond3A_89 {
        %dma_wait3A_143 = arith.constant 0 : i32
        %dma_wait3A_144 = tpu.memref_slice %arg3[%select_n3A, %dma_wait3A_143] : memref<2560x128xi32, #tpu.memory_space<hbm>> -> memref<1x128xi32, #tpu.memory_space<hbm>>
        %dma_wait3A_145 = arith.constant 0 : i32
        %dma_wait3A_146 = tpu.memref_slice %arg3[%select_n3A, %dma_wait3A_145] : memref<2560x128xi32, #tpu.memory_space<hbm>> -> memref<1x128xi32, #tpu.memory_space<hbm>>
        tpu.wait_dma2 semaphore(%arg18 : memref<!tpu.dma_semaphore, #tpu.memory_space<semaphore_mem>>) src(%dma_wait3A_146 : memref<1x128xi32, #tpu.memory_space<hbm>>) dst(%arg12 : memref<1x128xi32, #tpu.memory_space<vmem>>)
        %dma_start3A_147 = arith.constant 0 : i32
        %dma_start3A_148 = arith.constant 0 : i32
        %dma_start3A_149 = tpu.memref_slice %arg12[%dma_start3A_147, %dma_start3A_148] : memref<1x128xi32, #tpu.memory_space<vmem>> -> memref<1x128xi32, #tpu.memory_space<vmem>>
        %dma_start3A_150 = tpu.memref_squeeze %dma_start3A_149 : memref<1x128xi32, #tpu.memory_space<vmem>> -> memref<128xi32, #tpu.memory_space<vmem>>
        %dma_start3A_151 = arith.constant 0 : i32
        %dma_start3A_152 = arith.constant 0 : i32
        %dma_start3A_153 = tpu.memref_slice %arg2[%dma_start3A_151, %dma_start3A_152] : memref<10240x128xf32, #tpu.memory_space<hbm>> -> memref<10240x128xf32, #tpu.memory_space<hbm>>
        tpu.enqueue_indirect_dma source(%dma_start3A_153 : memref<10240x128xf32, #tpu.memory_space<hbm>>) target(%arg9 : memref<128x128xf32, #tpu.memory_space<vmem>>) offsets(%dma_start3A_150 : memref<128xi32, #tpu.memory_space<vmem>>) semaphore(%arg14 : memref<!tpu.dma_semaphore, #tpu.memory_space<semaphore_mem>>)
      } else {
      }
      %dma_wait3A_90 = arith.constant 0 : i32
      %dma_wait3A_91 = arith.constant 0 : i32
      %dma_wait3A_92 = tpu.memref_slice %arg11[%dma_wait3A_90, %dma_wait3A_91] : memref<1x128xi32, #tpu.memory_space<vmem>> -> memref<1x128xi32, #tpu.memory_space<vmem>>
      %dma_wait3A_93 = tpu.memref_squeeze %dma_wait3A_92 : memref<1x128xi32, #tpu.memory_space<vmem>> -> memref<128xi32, #tpu.memory_space<vmem>>
      %dma_wait3A_94 = arith.constant 0 : i32
      %dma_wait3A_95 = arith.constant 0 : i32
      %dma_wait3A_96 = tpu.memref_slice %arg2[%dma_wait3A_94, %dma_wait3A_95] : memref<10240x128xf32, #tpu.memory_space<hbm>> -> memref<10240x128xf32, #tpu.memory_space<hbm>>
      tpu.wait_indirect_dma semaphore(%arg13 : memref<!tpu.dma_semaphore, #tpu.memory_space<semaphore_mem>>) src(%dma_wait3A_96 : memref<10240x128xf32, #tpu.memory_space<hbm>>) dst(%arg8 : memref<128x128xf32, #tpu.memory_space<vmem>>)
      %dma_start3A_97 = arith.constant 0 : i32
      %dma_start3A_98 = tpu.memref_slice %arg10[%add3A_80, %dma_start3A_97] : memref<120x128xi32, #tpu.memory_space<vmem>> -> memref<1x128xi32, #tpu.memory_space<vmem>>
      %dma_start3A_99 = tpu.memref_squeeze %dma_start3A_98 : memref<1x128xi32, #tpu.memory_space<vmem>> -> memref<128xi32, #tpu.memory_space<vmem>>
      %dma_start3A_100 = arith.constant 0 : i32
      %dma_start3A_101 = arith.constant 0 : i32
      %dma_start3A_102 = tpu.memref_slice %arg7[%dma_start3A_100, %dma_start3A_101] : memref<10240x128xf32, #tpu.memory_space<vmem_shared>> -> memref<10240x128xf32, #tpu.memory_space<vmem_shared>>
      tpu.enqueue_indirect_dma source(%arg8 : memref<128x128xf32, #tpu.memory_space<vmem>>) target(%dma_start3A_102 : memref<10240x128xf32, #tpu.memory_space<vmem_shared>>) offsets(%dma_start3A_99 : memref<128xi32, #tpu.memory_space<vmem>>) semaphore(%arg15 : memref<!tpu.dma_semaphore, #tpu.memory_space<semaphore_mem>>) {add = true}
      %add3A_103 = arith.constant 2 : i32
      %add3A_104 = arith.addi %add3A_80, %add3A_103 : i32
      %lt3A_105 = arith.cmpi slt, %add3A_104, %select_n3A_8 : i32
      %convert_element_type3A_106 = arith.extui %lt3A_105 : i1 to i32
      %cond3A_107 = arith.constant 0 : i32
      %cond3A_108 = arith.cmpi ne, %convert_element_type3A_106, %cond3A_107 : i32
      scf.if %cond3A_108 {
        %add3A_143 = arith.addi %select_n3A, %add3A_80 : i32
        %add3A_144 = arith.constant 2 : i32
        %add3A_145 = arith.addi %add3A_143, %add3A_144 : i32
        %dma_start3A_146 = arith.constant 0 : i32
        %dma_start3A_147 = tpu.memref_slice %arg3[%add3A_145, %dma_start3A_146] : memref<2560x128xi32, #tpu.memory_space<hbm>> -> memref<1x128xi32, #tpu.memory_space<hbm>>
        %dma_start3A_148 = arith.constant 0 : i32
        %dma_start3A_149 = tpu.memref_slice %arg3[%add3A_145, %dma_start3A_148] : memref<2560x128xi32, #tpu.memory_space<hbm>> -> memref<1x128xi32, #tpu.memory_space<hbm>>
        tpu.enqueue_dma source(%dma_start3A_149 : memref<1x128xi32, #tpu.memory_space<hbm>>) target(%arg11 : memref<1x128xi32, #tpu.memory_space<vmem>>) target_semaphore(%arg17 : memref<!tpu.dma_semaphore, #tpu.memory_space<semaphore_mem>>)
      } else {
      }
      %mul3A_109 = arith.constant 2 : i32
      %mul3A_110 = arith.muli %mul3A_109, %add3A_76 : i32
      %add3A_111 = arith.constant 1 : i32
      %add3A_112 = arith.addi %mul3A_110, %add3A_111 : i32
      %gt3A_113 = arith.constant 0 : i32
      %gt3A_114 = arith.cmpi sgt, %add3A_112, %gt3A_113 : i32
      %convert_element_type3A_115 = arith.extui %gt3A_114 : i1 to i32
      %cond3A_116 = arith.constant 0 : i32
      %cond3A_117 = arith.cmpi ne, %convert_element_type3A_115, %cond3A_116 : i32
      scf.if %cond3A_117 {
        %dma_wait3A_143 = arith.constant 0 : i32
        %dma_wait3A_144 = arith.constant 0 : i32
        %dma_wait3A_145 = tpu.memref_slice %arg10[%dma_wait3A_143, %dma_wait3A_144] : memref<120x128xi32, #tpu.memory_space<vmem>> -> memref<1x128xi32, #tpu.memory_space<vmem>>
        %dma_wait3A_146 = tpu.memref_squeeze %dma_wait3A_145 : memref<1x128xi32, #tpu.memory_space<vmem>> -> memref<128xi32, #tpu.memory_space<vmem>>
        %dma_wait3A_147 = arith.constant 0 : i32
        %dma_wait3A_148 = arith.constant 0 : i32
        %dma_wait3A_149 = tpu.memref_slice %arg7[%dma_wait3A_147, %dma_wait3A_148] : memref<10240x128xf32, #tpu.memory_space<vmem_shared>> -> memref<10240x128xf32, #tpu.memory_space<vmem_shared>>
        tpu.wait_indirect_dma semaphore(%arg15 : memref<!tpu.dma_semaphore, #tpu.memory_space<semaphore_mem>>) src(%arg8 : memref<128x128xf32, #tpu.memory_space<vmem>>) dst(%dma_wait3A_149 : memref<10240x128xf32, #tpu.memory_space<vmem_shared>>)
      } else {
      }
      %add3A_118 = arith.constant 1 : i32
      %add3A_119 = arith.addi %add3A_112, %add3A_118 : i32
      %lt3A_120 = arith.cmpi slt, %add3A_119, %select_n3A_8 : i32
      %convert_element_type3A_121 = arith.extui %lt3A_120 : i1 to i32
      %cond3A_122 = arith.constant 0 : i32
      %cond3A_123 = arith.cmpi ne, %convert_element_type3A_121, %cond3A_122 : i32
      scf.if %cond3A_123 {
        %dma_wait3A_143 = arith.constant 0 : i32
        %dma_wait3A_144 = tpu.memref_slice %arg3[%select_n3A, %dma_wait3A_143] : memref<2560x128xi32, #tpu.memory_space<hbm>> -> memref<1x128xi32, #tpu.memory_space<hbm>>
        %dma_wait3A_145 = arith.constant 0 : i32
        %dma_wait3A_146 = tpu.memref_slice %arg3[%select_n3A, %dma_wait3A_145] : memref<2560x128xi32, #tpu.memory_space<hbm>> -> memref<1x128xi32, #tpu.memory_space<hbm>>
        tpu.wait_dma2 semaphore(%arg17 : memref<!tpu.dma_semaphore, #tpu.memory_space<semaphore_mem>>) src(%dma_wait3A_146 : memref<1x128xi32, #tpu.memory_space<hbm>>) dst(%arg11 : memref<1x128xi32, #tpu.memory_space<vmem>>)
        %dma_start3A_147 = arith.constant 0 : i32
        %dma_start3A_148 = arith.constant 0 : i32
        %dma_start3A_149 = tpu.memref_slice %arg11[%dma_start3A_147, %dma_start3A_148] : memref<1x128xi32, #tpu.memory_space<vmem>> -> memref<1x128xi32, #tpu.memory_space<vmem>>
        %dma_start3A_150 = tpu.memref_squeeze %dma_start3A_149 : memref<1x128xi32, #tpu.memory_space<vmem>> -> memref<128xi32, #tpu.memory_space<vmem>>
        %dma_start3A_151 = arith.constant 0 : i32
        %dma_start3A_152 = arith.constant 0 : i32
        %dma_start3A_153 = tpu.memref_slice %arg2[%dma_start3A_151, %dma_start3A_152] : memref<10240x128xf32, #tpu.memory_space<hbm>> -> memref<10240x128xf32, #tpu.memory_space<hbm>>
        tpu.enqueue_indirect_dma source(%dma_start3A_153 : memref<10240x128xf32, #tpu.memory_space<hbm>>) target(%arg8 : memref<128x128xf32, #tpu.memory_space<vmem>>) offsets(%dma_start3A_150 : memref<128xi32, #tpu.memory_space<vmem>>) semaphore(%arg13 : memref<!tpu.dma_semaphore, #tpu.memory_space<semaphore_mem>>)
      } else {
      }
      %dma_wait3A_124 = arith.constant 0 : i32
      %dma_wait3A_125 = arith.constant 0 : i32
      %dma_wait3A_126 = tpu.memref_slice %arg12[%dma_wait3A_124, %dma_wait3A_125] : memref<1x128xi32, #tpu.memory_space<vmem>> -> memref<1x128xi32, #tpu.memory_space<vmem>>
      %dma_wait3A_127 = tpu.memref_squeeze %dma_wait3A_126 : memref<1x128xi32, #tpu.memory_space<vmem>> -> memref<128xi32, #tpu.memory_space<vmem>>
      %dma_wait3A_128 = arith.constant 0 : i32
      %dma_wait3A_129 = arith.constant 0 : i32
      %dma_wait3A_130 = tpu.memref_slice %arg2[%dma_wait3A_128, %dma_wait3A_129] : memref<10240x128xf32, #tpu.memory_space<hbm>> -> memref<10240x128xf32, #tpu.memory_space<hbm>>
      tpu.wait_indirect_dma semaphore(%arg14 : memref<!tpu.dma_semaphore, #tpu.memory_space<semaphore_mem>>) src(%dma_wait3A_130 : memref<10240x128xf32, #tpu.memory_space<hbm>>) dst(%arg9 : memref<128x128xf32, #tpu.memory_space<vmem>>)
      %dma_start3A_131 = arith.constant 0 : i32
      %dma_start3A_132 = tpu.memref_slice %arg10[%add3A_112, %dma_start3A_131] : memref<120x128xi32, #tpu.memory_space<vmem>> -> memref<1x128xi32, #tpu.memory_space<vmem>>
      %dma_start3A_133 = tpu.memref_squeeze %dma_start3A_132 : memref<1x128xi32, #tpu.memory_space<vmem>> -> memref<128xi32, #tpu.memory_space<vmem>>
      %dma_start3A_134 = arith.constant 0 : i32
      %dma_start3A_135 = arith.constant 0 : i32
      %dma_start3A_136 = tpu.memref_slice %arg7[%dma_start3A_134, %dma_start3A_135] : memref<10240x128xf32, #tpu.memory_space<vmem_shared>> -> memref<10240x128xf32, #tpu.memory_space<vmem_shared>>
      tpu.enqueue_indirect_dma source(%arg9 : memref<128x128xf32, #tpu.memory_space<vmem>>) target(%dma_start3A_136 : memref<10240x128xf32, #tpu.memory_space<vmem_shared>>) offsets(%dma_start3A_133 : memref<128xi32, #tpu.memory_space<vmem>>) semaphore(%arg16 : memref<!tpu.dma_semaphore, #tpu.memory_space<semaphore_mem>>) {add = true}
      %add3A_137 = arith.constant 2 : i32
      %add3A_138 = arith.addi %add3A_112, %add3A_137 : i32
      %lt3A_139 = arith.cmpi slt, %add3A_138, %select_n3A_8 : i32
      %convert_element_type3A_140 = arith.extui %lt3A_139 : i1 to i32
      %cond3A_141 = arith.constant 0 : i32
      %cond3A_142 = arith.cmpi ne, %convert_element_type3A_140, %cond3A_141 : i32
      scf.if %cond3A_142 {
        %add3A_143 = arith.addi %select_n3A, %add3A_112 : i32
        %add3A_144 = arith.constant 2 : i32
        %add3A_145 = arith.addi %add3A_143, %add3A_144 : i32
        %dma_start3A_146 = arith.constant 0 : i32
        %dma_start3A_147 = tpu.memref_slice %arg3[%add3A_145, %dma_start3A_146] : memref<2560x128xi32, #tpu.memory_space<hbm>> -> memref<1x128xi32, #tpu.memory_space<hbm>>
        %dma_start3A_148 = arith.constant 0 : i32
        %dma_start3A_149 = tpu.memref_slice %arg3[%add3A_145, %dma_start3A_148] : memref<2560x128xi32, #tpu.memory_space<hbm>> -> memref<1x128xi32, #tpu.memory_space<hbm>>
        tpu.enqueue_dma source(%dma_start3A_149 : memref<1x128xi32, #tpu.memory_space<hbm>>) target(%arg12 : memref<1x128xi32, #tpu.memory_space<vmem>>) target_semaphore(%arg18 : memref<!tpu.dma_semaphore, #tpu.memory_space<semaphore_mem>>)
      } else {
      }
    }
    %dma_wait3A = arith.constant 0 : i32
    %dma_wait3A_67 = arith.constant 0 : i32
    %dma_wait3A_68 = tpu.memref_slice %arg10[%dma_wait3A, %dma_wait3A_67] : memref<120x128xi32, #tpu.memory_space<vmem>> -> memref<1x128xi32, #tpu.memory_space<vmem>>
    %dma_wait3A_69 = tpu.memref_squeeze %dma_wait3A_68 : memref<1x128xi32, #tpu.memory_space<vmem>> -> memref<128xi32, #tpu.memory_space<vmem>>
    %dma_wait3A_70 = arith.constant 0 : i32
    %dma_wait3A_71 = arith.constant 0 : i32
    %dma_wait3A_72 = tpu.memref_slice %arg7[%dma_wait3A_70, %dma_wait3A_71] : memref<10240x128xf32, #tpu.memory_space<vmem_shared>> -> memref<10240x128xf32, #tpu.memory_space<vmem_shared>>
    tpu.wait_indirect_dma semaphore(%arg16 : memref<!tpu.dma_semaphore, #tpu.memory_space<semaphore_mem>>) src(%arg9 : memref<128x128xf32, #tpu.memory_space<vmem>>) dst(%dma_wait3A_72 : memref<10240x128xf32, #tpu.memory_space<vmem_shared>>)
    %barrier3A_73 = arith.constant 0 : index
    tpu.barrier barrier_id(%barrier3A_73)
    "tpu.region"() ({
      %run_scoped3A = tpu.sem_alloc : memref<!tpu.dma_semaphore, #tpu.memory_space<semaphore_mem>>
      %dma_start3A_74 = arith.constant 0 : i32
      %dma_start3A_75 = tpu.memref_slice %arg6[%arg0, %mul3A_10, %dma_start3A_74] : memref<2x10240x128xf32, #tpu.memory_space<hbm>> -> memref<1x640x128xf32, #tpu.memory_space<hbm>>
      %dma_start3A_76 = tpu.memref_squeeze %dma_start3A_75 : memref<1x640x128xf32, #tpu.memory_space<hbm>> -> memref<640x128xf32, #tpu.memory_space<hbm>>
      %dma_start3A_77 = arith.constant 0 : i32
      %dma_start3A_78 = tpu.memref_slice %arg7[%mul3A_10, %dma_start3A_77] : memref<10240x128xf32, #tpu.memory_space<vmem_shared>> -> memref<640x128xf32, #tpu.memory_space<vmem_shared>>
      tpu.enqueue_dma source(%dma_start3A_78 : memref<640x128xf32, #tpu.memory_space<vmem_shared>>) target(%dma_start3A_76 : memref<640x128xf32, #tpu.memory_space<hbm>>) target_semaphore(%run_scoped3A : memref<!tpu.dma_semaphore, #tpu.memory_space<semaphore_mem>>)
      %dma_wait3A_79 = arith.constant 0 : i32
      %dma_wait3A_80 = tpu.memref_slice %arg6[%arg0, %mul3A_10, %dma_wait3A_79] : memref<2x10240x128xf32, #tpu.memory_space<hbm>> -> memref<1x640x128xf32, #tpu.memory_space<hbm>>
      %dma_wait3A_81 = tpu.memref_squeeze %dma_wait3A_80 : memref<1x640x128xf32, #tpu.memory_space<hbm>> -> memref<640x128xf32, #tpu.memory_space<hbm>>
      %dma_wait3A_82 = arith.constant 0 : i32
      %dma_wait3A_83 = tpu.memref_slice %arg7[%mul3A_10, %dma_wait3A_82] : memref<10240x128xf32, #tpu.memory_space<vmem_shared>> -> memref<640x128xf32, #tpu.memory_space<vmem_shared>>
      tpu.wait_dma2 semaphore(%run_scoped3A : memref<!tpu.dma_semaphore, #tpu.memory_space<semaphore_mem>>) src(%dma_wait3A_83 : memref<640x128xf32, #tpu.memory_space<vmem_shared>>) dst(%dma_wait3A_81 : memref<640x128xf32, #tpu.memory_space<hbm>>)
      tpu.yield
    }) : () -> ()
    return
  }
}

module attributes {stable_mosaic.version = 14 : i64} {
  func.func @_norm_h0_body(%arg0: memref<10240x128xf32, #tpu.memory_space<vmem>>, %arg1: memref<2x10240x1xf32, #tpu.memory_space<vmem>>, %arg2: memref<2x10240x1xf32, #tpu.memory_space<vmem>>, %arg3: memref<10240x128xf32, #tpu.memory_space<vmem>>, %arg4: memref<10240x1xf32, #tpu.memory_space<vmem>>, %arg5: memref<10240x1xf32, #tpu.memory_space<vmem>>) attributes {dimension_semantics = [], scalar_prefetch = 0 : i64, scratch_operands = 0 : i64, tpu.core_type = #tpu.core_type<tc>} {
    %get3A = arith.constant 0 : index
    %get3A_0 = arith.constant 0 : index
    %get3A_1 = arith.constant 0 : index
    %get3A_2 = vector.load %arg1[%get3A, %get3A_0, %get3A_1] : memref<2x10240x1xf32, #tpu.memory_space<vmem>>, vector<1x10240x1xf32>
    %get3A_3 = vector.shape_cast %get3A_2 : vector<1x10240x1xf32> to vector<10240x1xf32>
    %get3A_4 = arith.constant 1 : index
    %get3A_5 = arith.constant 0 : index
    %get3A_6 = arith.constant 0 : index
    %get3A_7 = vector.load %arg1[%get3A_4, %get3A_5, %get3A_6] : memref<2x10240x1xf32, #tpu.memory_space<vmem>>, vector<1x10240x1xf32>
    %get3A_8 = vector.shape_cast %get3A_7 : vector<1x10240x1xf32> to vector<10240x1xf32>
    %add3A = arith.addf %get3A_3, %get3A_8 : vector<10240x1xf32>
    %get3A_9 = arith.constant 0 : index
    %get3A_10 = arith.constant 0 : index
    %get3A_11 = arith.constant 0 : index
    %get3A_12 = vector.load %arg2[%get3A_9, %get3A_10, %get3A_11] : memref<2x10240x1xf32, #tpu.memory_space<vmem>>, vector<1x10240x1xf32>
    %get3A_13 = vector.shape_cast %get3A_12 : vector<1x10240x1xf32> to vector<10240x1xf32>
    %get3A_14 = arith.constant 1 : index
    %get3A_15 = arith.constant 0 : index
    %get3A_16 = arith.constant 0 : index
    %get3A_17 = vector.load %arg2[%get3A_14, %get3A_15, %get3A_16] : memref<2x10240x1xf32, #tpu.memory_space<vmem>>, vector<1x10240x1xf32>
    %get3A_18 = vector.shape_cast %get3A_17 : vector<1x10240x1xf32> to vector<10240x1xf32>
    %add3A_19 = arith.addf %get3A_13, %get3A_18 : vector<10240x1xf32>
    %iota3A = tpu.iota {dimensions = array<i32: 0>} : vector<10240x1xi32>
    %lt3A = arith.constant 10000 : i32
    %lt3A_20 = vector.broadcast %lt3A : i32 to vector<10240x1xi32>
    %lt3A_21 = arith.cmpi slt, %iota3A, %lt3A_20 : vector<10240x1xi32>
    %convert_element_type3A = arith.extui %lt3A_21 : vector<10240x1xi1> to vector<10240x1xi32>
    %convert_element_type3A_22 = arith.sitofp %convert_element_type3A : vector<10240x1xi32> to vector<10240x1xf32>
    %gt3A = arith.constant 0.000000e+00 : f32
    %gt3A_23 = vector.broadcast %gt3A : f32 to vector<10240x1xf32>
    %gt3A_24 = arith.cmpf ogt, %add3A, %gt3A_23 : vector<10240x1xf32>
    %max3A = arith.constant 1.000000e+00 : f32
    %max3A_25 = vector.broadcast %max3A : f32 to vector<10240x1xf32>
    %max3A_26 = arith.maximumf %add3A, %max3A_25 : vector<10240x1xf32>
    %rsqrt3A = math.rsqrt %max3A_26 : vector<10240x1xf32>
    %jit3A = arith.constant 0.000000e+00 : f32
    %broadcast_in_dim3A = vector.broadcast %jit3A : f32 to vector<10240x1xf32>
    %select_n3A = arith.select %gt3A_24, %rsqrt3A, %broadcast_in_dim3A : vector<10240x1xi1>, vector<10240x1xf32>
    %mul3A = arith.mulf %select_n3A, %convert_element_type3A_22 : vector<10240x1xf32>
    %gt3A_27 = arith.constant 0.000000e+00 : f32
    %gt3A_28 = vector.broadcast %gt3A_27 : f32 to vector<10240x1xf32>
    %gt3A_29 = arith.cmpf ogt, %add3A_19, %gt3A_28 : vector<10240x1xf32>
    %max3A_30 = arith.constant 1.000000e+00 : f32
    %max3A_31 = vector.broadcast %max3A_30 : f32 to vector<10240x1xf32>
    %max3A_32 = arith.maximumf %add3A_19, %max3A_31 : vector<10240x1xf32>
    %rsqrt3A_33 = math.rsqrt %max3A_32 : vector<10240x1xf32>
    %jit3A_34 = arith.constant 0.000000e+00 : f32
    %broadcast_in_dim3A_35 = vector.broadcast %jit3A_34 : f32 to vector<10240x1xf32>
    %select_n3A_36 = arith.select %gt3A_29, %rsqrt3A_33, %broadcast_in_dim3A_35 : vector<10240x1xi1>, vector<10240x1xf32>
    %mul3A_37 = arith.mulf %select_n3A_36, %convert_element_type3A_22 : vector<10240x1xf32>
    %swap3A = arith.constant 0 : index
    %swap3A_38 = arith.constant 0 : index
    %swap3A_39 = vector.load %arg4[%swap3A, %swap3A_38] : memref<10240x1xf32, #tpu.memory_space<vmem>>, vector<10240x1xf32>
    tpu.vector_store %arg4[%swap3A, %swap3A_38], %mul3A {strides = array<i32>} : memref<10240x1xf32, #tpu.memory_space<vmem>>, vector<10240x1xf32>,
    %swap3A_40 = arith.constant 0 : index
    %swap3A_41 = arith.constant 0 : index
    %swap3A_42 = vector.load %arg5[%swap3A_40, %swap3A_41] : memref<10240x1xf32, #tpu.memory_space<vmem>>, vector<10240x1xf32>
    tpu.vector_store %arg5[%swap3A_40, %swap3A_41], %mul3A_37 {strides = array<i32>} : memref<10240x1xf32, #tpu.memory_space<vmem>>, vector<10240x1xf32>,
    %get3A_43 = arith.constant 0 : index
    %get3A_44 = arith.constant 0 : index
    %get3A_45 = vector.load %arg0[%get3A_43, %get3A_44] : memref<10240x128xf32, #tpu.memory_space<vmem>>, vector<10240x128xf32>
    %mul3A_46 = vector.broadcast %mul3A : vector<10240x1xf32> to vector<10240x128xf32>
    %mul3A_47 = arith.mulf %get3A_45, %mul3A_46 : vector<10240x128xf32>
    %swap3A_48 = arith.constant 0 : index
    %swap3A_49 = arith.constant 0 : index
    %swap3A_50 = vector.load %arg3[%swap3A_48, %swap3A_49] : memref<10240x128xf32, #tpu.memory_space<vmem>>, vector<10240x128xf32>
    tpu.vector_store %arg3[%swap3A_48, %swap3A_49], %mul3A_47 {strides = array<i32>} : memref<10240x128xf32, #tpu.memory_space<vmem>>, vector<10240x128xf32>,
    return
  }
}

module attributes {stable_mosaic.version = 14 : i64} {
  func.func @_fin_body(%arg0: i32, %arg1: memref<2x1024x128xf32, #tpu.memory_space<vmem>>, %arg2: memref<1024x1xf32, #tpu.memory_space<vmem>>, %arg3: memref<1x128xf32, #tpu.memory_space<vmem>>, %arg4: memref<1024x128xf32, #tpu.memory_space<vmem>>) attributes {dimension_semantics = [#tpu.dimension_semantics<arbitrary>], iteration_bounds = array<i64: 10>, scalar_prefetch = 0 : i64, scratch_operands = 0 : i64, tpu.core_type = #tpu.core_type<tc>, window_params = [{transform_indices = @transform_0, window_bounds = array<i64: 2, 1024, 128>}, {transform_indices = @transform_1, window_bounds = array<i64: 1024, 1>}, {pipeline_mode = #tpu.pipeline_mode<synchronous>, transform_indices = @transform_2, window_bounds = array<i64: 1, 128>}, {transform_indices = @transform_3, window_bounds = array<i64: 1024, 128>}]} {
    %get3A = arith.constant 0 : index
    %get3A_0 = arith.constant 0 : index
    %get3A_1 = arith.constant 0 : index
    %get3A_2 = vector.load %arg1[%get3A, %get3A_0, %get3A_1] : memref<2x1024x128xf32, #tpu.memory_space<vmem>>, vector<1x1024x128xf32>
    %get3A_3 = vector.shape_cast %get3A_2 : vector<1x1024x128xf32> to vector<1024x128xf32>
    %get3A_4 = arith.constant 1 : index
    %get3A_5 = arith.constant 0 : index
    %get3A_6 = arith.constant 0 : index
    %get3A_7 = vector.load %arg1[%get3A_4, %get3A_5, %get3A_6] : memref<2x1024x128xf32, #tpu.memory_space<vmem>>, vector<1x1024x128xf32>
    %get3A_8 = vector.shape_cast %get3A_7 : vector<1x1024x128xf32> to vector<1024x128xf32>
    %add3A = arith.addf %get3A_3, %get3A_8 : vector<1024x128xf32>
    %get3A_9 = arith.constant 0 : index
    %get3A_10 = arith.constant 0 : index
    %get3A_11 = vector.load %arg2[%get3A_9, %get3A_10] : memref<1024x1xf32, #tpu.memory_space<vmem>>, vector<1024x1xf32>
    %mul3A = vector.broadcast %get3A_11 : vector<1024x1xf32> to vector<1024x128xf32>
    %mul3A_12 = arith.mulf %add3A, %mul3A : vector<1024x128xf32>
    %get3A_13 = arith.constant 0 : index
    %get3A_14 = arith.constant 0 : index
    %get3A_15 = vector.load %arg3[%get3A_13, %get3A_14] : memref<1x128xf32, #tpu.memory_space<vmem>>, vector<1x128xf32>
    %add3A_16 = vector.broadcast %get3A_15 : vector<1x128xf32> to vector<1024x128xf32>
    %add3A_17 = arith.addf %mul3A_12, %add3A_16 : vector<1024x128xf32>
    %swap3A = arith.constant 0 : index
    %swap3A_18 = arith.constant 0 : index
    %swap3A_19 = vector.load %arg4[%swap3A, %swap3A_18] : memref<1024x128xf32, #tpu.memory_space<vmem>>, vector<1024x128xf32>
    tpu.vector_store %arg4[%swap3A, %swap3A_18], %add3A_17 {strides = array<i32>} : memref<1024x128xf32, #tpu.memory_space<vmem>>, vector<1024x128xf32>,
    return
  }
  func.func @transform_0(%arg0: i32) -> (i32, i32, i32) {
    %c0_i32 = arith.constant 0 : i32
    %c0_i32_0 = arith.constant 0 : i32
    %c0_i32_1 = arith.constant 0 : i32
    return %c0_i32, %arg0, %c0_i32_0 : i32, i32, i32
  }
  func.func @transform_1(%arg0: i32) -> (i32, i32) {
    %c0_i32 = arith.constant 0 : i32
    %c0_i32_0 = arith.constant 0 : i32
    return %arg0, %c0_i32 : i32, i32
  }
  func.func @transform_2(%arg0: i32) -> (i32, i32) {
    %c0_i32 = arith.constant 0 : i32
    %c0_i32_0 = arith.constant 0 : i32
    %c0_i32_1 = arith.constant 0 : i32
    return %c0_i32, %c0_i32_0 : i32, i32
  }
  func.func @transform_3(%arg0: i32) -> (i32, i32) {
    %c0_i32 = arith.constant 0 : i32
    %c0_i32_0 = arith.constant 0 : i32
    return %arg0, %c0_i32 : i32, i32
  }
}

module attributes {stable_mosaic.version = 14 : i64} {
  func.func @_mm_body(%arg0: i32, %arg1: memref<2x1024x128xf32, #tpu.memory_space<vmem>>, %arg2: memref<1024x1xf32, #tpu.memory_space<vmem>>, %arg3: memref<1024x1xf32, #tpu.memory_space<vmem>>, %arg4: memref<128x512xf32, #tpu.memory_space<vmem>>, %arg5: memref<1x512xf32, #tpu.memory_space<vmem>>, %arg6: memref<512x128xf32, #tpu.memory_space<vmem>>, %arg7: memref<1024x128xf32, #tpu.memory_space<vmem>>) attributes {dimension_semantics = [#tpu.dimension_semantics<arbitrary>], iteration_bounds = array<i64: 10>, scalar_prefetch = 0 : i64, scratch_operands = 0 : i64, tpu.core_type = #tpu.core_type<tc>, window_params = [{transform_indices = @transform_0, window_bounds = array<i64: 2, 1024, 128>}, {transform_indices = @transform_1, window_bounds = array<i64: 1024, 1>}, {transform_indices = @transform_2, window_bounds = array<i64: 1024, 1>}, {pipeline_mode = #tpu.pipeline_mode<synchronous>, transform_indices = @transform_3, window_bounds = array<i64: 128, 512>}, {pipeline_mode = #tpu.pipeline_mode<synchronous>, transform_indices = @transform_4, window_bounds = array<i64: 1, 512>}, {pipeline_mode = #tpu.pipeline_mode<synchronous>, transform_indices = @transform_5, window_bounds = array<i64: 512, 128>}, {transform_indices = @transform_6, window_bounds = array<i64: 1024, 128>}]} {
    %get3A = arith.constant 0 : index
    %get3A_0 = arith.constant 0 : index
    %get3A_1 = arith.constant 0 : index
    %get3A_2 = vector.load %arg1[%get3A, %get3A_0, %get3A_1] : memref<2x1024x128xf32, #tpu.memory_space<vmem>>, vector<1x1024x128xf32>
    %get3A_3 = vector.shape_cast %get3A_2 : vector<1x1024x128xf32> to vector<1024x128xf32>
    %get3A_4 = arith.constant 1 : index
    %get3A_5 = arith.constant 0 : index
    %get3A_6 = arith.constant 0 : index
    %get3A_7 = vector.load %arg1[%get3A_4, %get3A_5, %get3A_6] : memref<2x1024x128xf32, #tpu.memory_space<vmem>>, vector<1x1024x128xf32>
    %get3A_8 = vector.shape_cast %get3A_7 : vector<1x1024x128xf32> to vector<1024x128xf32>
    %add3A = arith.addf %get3A_3, %get3A_8 : vector<1024x128xf32>
    %get3A_9 = arith.constant 0 : index
    %get3A_10 = arith.constant 0 : index
    %get3A_11 = vector.load %arg3[%get3A_9, %get3A_10] : memref<1024x1xf32, #tpu.memory_space<vmem>>, vector<1024x1xf32>
    %mul3A = vector.broadcast %get3A_11 : vector<1024x1xf32> to vector<1024x128xf32>
    %mul3A_12 = arith.mulf %add3A, %mul3A : vector<1024x128xf32>
    %get3A_13 = arith.constant 0 : index
    %get3A_14 = arith.constant 0 : index
    %get3A_15 = vector.load %arg4[%get3A_13, %get3A_14] : memref<128x512xf32, #tpu.memory_space<vmem>>, vector<128x512xf32>
    %dot_general3A = arith.constant dense<0.000000e+00> : vector<1024x512xf32>
    %dot_general3A_16 = tpu.matmul %mul3A_12, %get3A_15, %dot_general3A {dimension_numbers = #tpu.dot_dimension_numbers<[1], [0], [0], [1], [0, 0, 1, 1], [], []>, precision = #tpu.contract_precision<fp32>, transpose_lhs_hint = false} : vector<1024x128xf32>, vector<128x512xf32>, vector<1024x512xf32> -> vector<1024x512xf32>
    %get3A_17 = arith.constant 0 : index
    %get3A_18 = arith.constant 0 : index
    %get3A_19 = vector.load %arg5[%get3A_17, %get3A_18] : memref<1x512xf32, #tpu.memory_space<vmem>>, vector<1x512xf32>
    %add3A_20 = vector.broadcast %get3A_19 : vector<1x512xf32> to vector<1024x512xf32>
    %add3A_21 = arith.addf %dot_general3A_16, %add3A_20 : vector<1024x512xf32>
    %max3A = arith.constant 0.000000e+00 : f32
    %max3A_22 = vector.broadcast %max3A : f32 to vector<1024x512xf32>
    %max3A_23 = arith.maximumf %add3A_21, %max3A_22 : vector<1024x512xf32>
    %get3A_24 = arith.constant 0 : index
    %get3A_25 = arith.constant 0 : index
    %get3A_26 = vector.load %arg2[%get3A_24, %get3A_25] : memref<1024x1xf32, #tpu.memory_space<vmem>>, vector<1024x1xf32>
    %mul3A_27 = vector.broadcast %get3A_26 : vector<1024x1xf32> to vector<1024x512xf32>
    %mul3A_28 = arith.mulf %max3A_23, %mul3A_27 : vector<1024x512xf32>
    %get3A_29 = arith.constant 0 : index
    %get3A_30 = arith.constant 0 : index
    %get3A_31 = vector.load %arg6[%get3A_29, %get3A_30] : memref<512x128xf32, #tpu.memory_space<vmem>>, vector<512x128xf32>
    %dot_general3A_32 = arith.constant dense<0.000000e+00> : vector<1024x128xf32>
    %dot_general3A_33 = tpu.matmul %mul3A_28, %get3A_31, %dot_general3A_32 {dimension_numbers = #tpu.dot_dimension_numbers<[1], [0], [0], [1], [0, 0, 1, 1], [], []>, precision = #tpu.contract_precision<fp32>, transpose_lhs_hint = false} : vector<1024x512xf32>, vector<512x128xf32>, vector<1024x128xf32> -> vector<1024x128xf32>
    %swap3A = arith.constant 0 : index
    %swap3A_34 = arith.constant 0 : index
    %swap3A_35 = vector.load %arg7[%swap3A, %swap3A_34] : memref<1024x128xf32, #tpu.memory_space<vmem>>, vector<1024x128xf32>
    tpu.vector_store %arg7[%swap3A, %swap3A_34], %dot_general3A_33 {strides = array<i32>} : memref<1024x128xf32, #tpu.memory_space<vmem>>, vector<1024x128xf32>,
    return
  }
  func.func @transform_0(%arg0: i32) -> (i32, i32, i32) {
    %c0_i32 = arith.constant 0 : i32
    %c0_i32_0 = arith.constant 0 : i32
    %c0_i32_1 = arith.constant 0 : i32
    return %c0_i32, %arg0, %c0_i32_0 : i32, i32, i32
  }
  func.func @transform_1(%arg0: i32) -> (i32, i32) {
    %c0_i32 = arith.constant 0 : i32
    %c0_i32_0 = arith.constant 0 : i32
    return %arg0, %c0_i32 : i32, i32
  }
  func.func @transform_2(%arg0: i32) -> (i32, i32) {
    %c0_i32 = arith.constant 0 : i32
    %c0_i32_0 = arith.constant 0 : i32
    return %arg0, %c0_i32 : i32, i32
  }
  func.func @transform_3(%arg0: i32) -> (i32, i32) {
    %c0_i32 = arith.constant 0 : i32
    %c0_i32_0 = arith.constant 0 : i32
    %c0_i32_1 = arith.constant 0 : i32
    return %c0_i32, %c0_i32_0 : i32, i32
  }
  func.func @transform_4(%arg0: i32) -> (i32, i32) {
    %c0_i32 = arith.constant 0 : i32
    %c0_i32_0 = arith.constant 0 : i32
    %c0_i32_1 = arith.constant 0 : i32
    return %c0_i32, %c0_i32_0 : i32, i32
  }
  func.func @transform_5(%arg0: i32) -> (i32, i32) {
    %c0_i32 = arith.constant 0 : i32
    %c0_i32_0 = arith.constant 0 : i32
    %c0_i32_1 = arith.constant 0 : i32
    return %c0_i32, %c0_i32_0 : i32, i32
  }
  func.func @transform_6(%arg0: i32) -> (i32, i32) {
    %c0_i32 = arith.constant 0 : i32
    %c0_i32_0 = arith.constant 0 : i32
    return %arg0, %c0_i32 : i32, i32
  }
}

</mosaic_0001>

<sc_bundles>
// kernel: kernel.11.cloned.1.call-start
scs
__scs_entry_jumppad:
0x0: {  	(pc) =	sbr.rel $0x88, $3  }
0x1: {  	(tag) =	ssettag $0x0;
	lr =	simm.s32 $0x1  }
0x2: {  	[smem:$0x3F9B] =	sst lr;
	_ =	strace $0xD0000000  }
0x3: {  	_ = 	snop  }
0x4: {  	_ = 	snop  }
0x5: {  	_ = 	snop  }
0x6: {  	_ = 	snop  }
0x7: {  	_ = 	snop  }
__scs_overlays_trampoline_lowered:
0x8: {  	[smem:$0x3FAA] =	sst s0  }
0x9: {  	[smem:$0x3FAB] =	sst s1  }
0xa: {  	[smem:$0x3FAC] =	sst s2  }
0xb: {  	[smem:$0x3FAD] =	sst s3  }
0xc: {  	[smem:$0x3FAE] =	sst s4  }
0xd: {  	[smem:$0x3FAF] =	sst s5  }
0xe: {  	[smem:$0x3FB0] =	sst s6  }
0xf: {  	[smem:$0x3FB1] =	sst s7  }
0x10: {  	[smem:$0x3FB2] =	sst s8  }
0x11: {  	[smem:$0x3FB3] =	sst s9;
	s0 =	simm.s32 @!p0 $0x0  }
0x12: {  	s1 =	sld [smem:$0x3F99];
	s0 =	simm.s32 @p0 $0x1  }
0x13: {  	[smem:$0x3FB4] =	sst s0;
	s0 =	simm.s32 @!p1 $0x0  }
0x14: {  	s2 =	sld [smem:$0x3F98];
	s0 =	simm.s32 @p1 $0x1  }
0x15: {  	[smem:$0x3FB5] =	sst s0;
	s0 =	simm.s32 @!p2 $0x0  }
0x16: {  	s3 =	sld [smem:$0x3FDB];
	s0 =	simm.s32 @p2 $0x1  }
0x17: {  	s4 =	simm.s32 $0x1BF5;
	[smem:$0x3FB7] =	sst s0  }
0x18: {  	s0 =	sld [smem:$0x3F9A];
	_ =	swait.ge [sflag:s4], $0x0  }
0x19: {  	s7 =	sld [smem:$0x3F9B]  }
0x1a: {  	s8 =	sadd.s32 $0xFFFFE003, lr  }
0x1b: {  	s9 =	sadd.s32 $0xFFFFFEF7, lr;
	s5 =	simm.s32 $0xFFFFFFFF;
	p2 =	slt.u32 s8, $0xFFFFF086  }
0x1c: {  	p1 =	slt.u32 s9, $0xF7A;
	s5 =	simm.s32 @!p2 $0x0  }
0x1d: {  	s5 =	simm.s32 @p1 $0x1;
	p0 =	seq.s32 s7, s2  }
0x1e: {  	s7 =	smul.u32 @!p0 $0xF7A, s2;
	p2 =	seq.s32 @!p0 s5, $0x0  }
0x1f: {  	s9 =	smul.u32 $0xF7A, s1;
	s8 =	simm.s32 @!p0 $0x1BF5;
	p2 =	por !p2, p0  }
0x20: {  	[sflag:s8] =	ssyncset.s32 @!p0 $0xFFFFF086;
	s6 =	sadd.s32 @!p0 s3, s7;
	s7 =	simm.s32 @!p0 $0x108  }
0x21: {  	s3 =	sadd.s32 s3, s9;
	s6 =	sadd.s32 @!p0 $0x88, s6;
	s7 =	simm.s32 @p2 $0x1082  }
0x22: {  	[simem:s7], [sflag:s8] =	dma.local @!p0 [hbm:s6], $0xF7A  }
0x23: {  	s9 =	sor.u32 $0xD0000000, s2;
	s6 =	simm.s32 $0x108;
	_ =	swait.ge @!p0 [sflag:s8], $0x0  }
0x24: {  	s3 =	sadd.s32 $0x88, s3;
	s6 =	simm.s32 @!p1 $0x1082;
	[sflag:s4] =	ssyncset.s32 $0xFFFFF086  }
0x25: {  	[simem:s6], [sflag:s4] =	dma.local [hbm:s3], $0xF7A  }
0x26: {  	[smem:$0x3F9B] =	sst s1;
	(tag) =	ssettag s2;
	_ =	strace s9  }
0x27: {  	s1 =	sld [smem:$0x3FAB]  }
0x28: {  	s2 =	sld [smem:$0x3FAC]  }
0x29: {  	s4 =	sld [smem:$0x3FAE]  }
0x2a: {  	p0 =	seq.s32 s5, $0x0;
	s5 =	sld [smem:$0x3FAF]  }
0x2b: {  	s6 =	sld [smem:$0x3FB0]  }
0x2c: {  	s7 =	sld [smem:$0x3FB1]  }
0x2d: {  	s3 =	simm.s32 $0x108;
	s8 =	sld [smem:$0x3FB2]  }
0x2e: {  	s3 =	simm.s32 @!p0 $0x1082;
	s9 =	sld [smem:$0x3FB3]  }
0x2f: {  	lr =	sadd.s32 s0, s3;
	s0 =	sld [smem:$0x3FAA]  }
0x30: {  	s3 =	sld [smem:$0x3FAD]  }
0x31: {  	[smem:$0x3FB6] =	sst s10  }
0x32: {  	s10 =	sld [smem:$0x3FB4];
	_ =	sdelay $0x3  }
0x33: {  	p0 =	seq.s32 s10, $0x1;
	s10 =	sld [smem:$0x3FB6];
	_ =	sdelay $0x3  }
0x34: {  	[smem:$0x3FB6] =	sst s10  }
0x35: {  	s10 =	sld [smem:$0x3FB5];
	_ =	sdelay $0x3  }
0x36: {  	p1 =	seq.s32 s10, $0x1;
	s10 =	sld [smem:$0x3FB6];
	_ =	sdelay $0x3  }
0x37: {  	[smem:$0x3FB6] =	sst s10  }
0x38: {  	s10 =	sld [smem:$0x3FB7]  }
0x39: {  	_ = 	snop;
	(pc) =	sbr.ind lr, $3  }
0x3a: {  	_ = 	snop  }
0x3b: {  	_ = 	snop  }
0x3c: {  	p2 =	seq.s32 s10, $0x1;
	s10 =	sld [smem:$0x3FB6]  }
0x3d: {  	_ =	shalt  }
0x3e: {  	_ =	shalt  }
0x3f: {  	_ =	shalt  }
0x40: {  	_ =	shalt  }
0x41: {  	_ =	shalt  }
0x42: {  	_ =	shalt  }
0x43: {  	_ =	shalt  }
0x44: {  	_ =	shalt  }
0x45: {  	_ =	shalt  }
0x46: {  	_ =	shalt  }
0x47: {  	_ =	shalt  }
0x48: {  	_ =	shalt  }
0x49: {  	_ =	shalt  }
0x4a: {  	_ =	shalt  }
0x4b: {  	_ =	shalt  }
0x4c: {  	_ =	shalt  }
0x4d: {  	_ =	shalt  }
0x4e: {  	_ =	shalt  }
0x4f: {  	_ =	shalt  }
0x50: {  	_ =	shalt  }
0x51: {  	_ =	shalt  }
0x52: {  	_ =	shalt  }
0x53: {  	_ =	shalt  }
0x54: {  	_ =	shalt  }
0x55: {  	_ =	shalt  }
0x56: {  	_ =	shalt  }
0x57: {  	_ =	shalt  }
0x58: {  	_ =	shalt  }
0x59: {  	_ =	shalt  }
0x5a: {  	_ =	shalt  }
0x5b: {  	_ =	shalt  }
0x5c: {  	_ =	shalt  }
0x5d: {  	_ =	shalt  }
0x5e: {  	_ =	shalt  }
0x5f: {  	_ =	shalt  }
0x60: {  	_ =	shalt  }
0x61: {  	_ =	shalt  }
0x62: {  	_ =	shalt  }
0x63: {  	_ =	shalt  }
0x64: {  	_ =	shalt  }
0x65: {  	_ =	shalt  }
0x66: {  	_ =	shalt  }
0x67: {  	_ =	shalt  }
0x68: {  	_ =	shalt  }
0x69: {  	_ =	shalt  }
0x6a: {  	_ =	shalt  }
0x6b: {  	_ =	shalt  }
0x6c: {  	_ =	shalt  }
0x6d: {  	_ =	shalt  }
0x6e: {  	_ =	shalt  }
0x6f: {  	_ =	shalt  }
0x70: {  	_ =	shalt  }
0x71: {  	_ =	shalt  }
0x72: {  	_ =	shalt  }
0x73: {  	_ =	shalt  }
0x74: {  	_ =	shalt  }
0x75: {  	_ =	shalt  }
0x76: {  	_ =	shalt  }
0x77: {  	_ =	shalt  }
0x78: {  	_ =	shalt  }
0x79: {  	_ =	shalt  }
0x7a: {  	_ =	shalt  }
0x7b: {  	_ =	shalt  }
0x7c: {  	_ =	shalt  }
0x7d: {  	_ =	shalt  }
0x7e: {  	_ =	shalt  }
0x7f: {  	_ =	shalt  }
0x80: {  	_ =	shalt  }
0x81: {  	_ =	shalt  }
0x82: {  	_ =	shalt  }
0x83: {  	_ =	shalt  }
0x84: {  	_ =	shalt  }
0x85: {  	_ =	shalt  }
0x86: {  	_ =	shalt  }
0x87: {  	_ =	shalt  }
.Lfunc_end0:
.L_simem_size_0:
called_computation.1_lowered:
.L_overlay_start_0:
0x88: {  	s2 =	sld [smem:$0x3FD9]  }
0x89: {  	s3 =	sld [smem:$0x3FFE];
	_ =	sdelay $0x1  }
0x8a: {  	s1 =	srdreg.scid  }
0x8b: {  	s0 =	sand.u32 $0x1, s1  }
0x8c: {  	s17 =	sshll.u32 s0, $0xA;
	s2 =	sadd.s32 s3, s2  }
0x8d: {  	s2 =	sadd.s32 s2, s17  }
0x8e: {  	[smem:$0x3FC2] =	sst s2  }
0x8f: {  	_ = 	snop  }
0x90: {  	s2 =	sld [smem:$0x3FD0];
	(tm) =	ssettm $0x1  }
0x91: {  	s18 =	sld [smem:$0x3FFB];
	_ =	sdelay $0x3  }
0x92: {  	_ =	strace s18  }
0x93: {  	s3 =	sld [smem:$0x3FFC];
	_ =	sdelay $0x3  }
0x94: {  	_ =	strace s3  }
0x95: {  	s3 =	sld [smem:$0x3FFD];
	_ =	sdelay $0x3  }
0x96: {  	_ =	strace s3  }
0x97: {  	_ =	strace $0x8FFFFFFF  }
0x98: {  	s19 =	sld [smem:$0x3FDB];
	_ =	sdelay $0x1  }
0x99: {  	s4 =	simm.s32 $_scs_section_size  }
0x9a: {  	s5 =	simm.s32 $_size__tile_overlayer_lowered;
	s6 =	simm.s32 $_tile_overlayer_lowered  }
0x9b: {  	s22 =	simm.s32 $0x1BFF;
	s21 =	sshll.u32 s6, $0x1;
	s3 =	sadd.s32 s4, s19  }
0x9c: {  	s7 =	simm.s32 $0x0;
	s20 =	sshll.u32 s5, $0x1;
	s5 =	sadd.s32 s21, s3  }
0x9d: {  	[timem:s7], [sflag:s22] =	dma.local [hbm:s5], s20  }
0x9e: {  	_ =	swait.ge [sflag:s22], s20  }
0x9f: {  	s4 =	ssub.s32 $0x0, s20;
	[sflag:s22] =	ssyncset.done $0x0  }
0xa0: {  	[sflag:s22] =	ssyncadd.s32 s4;
	_ =	sdelay $0x1  }
0xa1: {  	s23 =	simm.s32 $0x1B8B  }
0xa2: {  	_ =	swait.ge [sflag:s23], $0x1  }
0xa3: {  	[sflag:s23] =	ssyncset.done $0x0  }
0xa4: {  	s25 =	simm.s32 $0x1B8E;
	s24 =	sld [smem:$0x3FFE];
	[sflag:s23] =	ssyncadd.s32 $0xFFFFFFFF  }
0xa5: {  	s26 =	simm.s32 $execute0_lowered;
	[smem:$0x3FD2] =	sst s25  }
0xa6: {  	s5 =	sshll.u32 s26, $0x1;
	_ =	strace $0x80000049;
	[dreg:$0x1] =	wrdreg $0xFFFFFFFF  }
0xa7: {  	s28 =	simm.s32 $_size_execute0_lowered;
	s3 =	sadd.s32 s3, s5;
	[dreg:$0x0] =	wrdreg $0x0  }
0xa8: {  	s5 =	sshll.u32 s28, $0x1;
	[dreg:$0x2] =	wrdreg s3  }
0xa9: {  	[dreg:$0x3] =	wrdreg s5  }
0xaa: {  	[dreg:$0x4] =	wrdreg $0xC0  }
0xab: {  	_ =	task [dreg:s7], $0x5FFFF  }
0xac: {  	[dreg:$0x1] =	wrdreg $0xFFFFFFFF  }
0xad: {  	[dreg:$0x0] =	wrdreg $0x60  }
0xae: {  	[dreg:$0x2] =	wrdreg s24  }
0xaf: {  	[dreg:$0x3] =	wrdreg s2  }
0xb0: {  	[dreg:$0x4] =	wrdreg $0x0  }
0xb1: {  	[dreg:$0x5] =	wrdreg $0x9  }
0xb2: {  	_ =	task.clear_ibuf [dreg:s7], $0x6FFFF;
	_ =	strace $0x90000049  }
0xb3: {  	s29 =	simm.s32 $0x9;
	_ =	strace $0x8000004B  }
0xb4: {  	_ =	swait.ge [sflag:s29], $0x1  }
0xb5: {  	[sflag:s29] =	ssyncadd.s32 $0xFFFFFFFF  }
0xb6: {  	_ =	strace $0x9000004B  }
0xb7: {  	_ =	sfence  }
0xb8: {  	s30 =	sld [smem:$0x0];
	_ =	sdelay $0x2  }
0xb9: {  	s31 =	sshll.u32 s1, $0xD;
	s1 =	sshrl.u32 s1, $0x2  }
0xba: {  	s3 =	sand.u32 $0x4000, s31;
	s1 =	sadd.s32 s1, s30  }
0xbb: {  	s0 =	sor.u32 s3, s0;
	s1 =	sshll.u32 s1, $0x11  }
0xbc: {  	s0 =	sor.u32 s1, s0  }
0xbd: {  	s0 =	sadd.s32 $0x8F2B, s0  }
0xbe: {  	[sflag:s0] =	ssyncadd.remote.s32 $0x1  }
0xbf: {  	_ =	sfence.sel $0xFFFF  }
0xc0: {  	[dreg:$0x0] =	wrdreg $0xFFFFFFFF;
	(pc) =	sbr.abs _section_cstart, $3  }
0xc1: {  	[dreg:$0x1] =	wrdreg $0xFFFFFFFF  }
0xc2: {  	_ =	task.clear_ibuf [dreg:s7], $0x2FFFF;
	_ =	strace $0x9FFFFFFF  }
0xc3: {  	(tm) =	ssettm $0x7FFFFFFF  }
tec
execute0_lowered:
.L_overlay_start_1:
0x0: {  	(tag) =	ssettag $0x1  }
0x1: {  	s0 =	rddreg [dreg:$0x0]  }
0x2: {  	s1 =	rddreg [dreg:$0x1];
	s13 =	stileid.u32  }
0x3: {  	s2 =	rddreg [dreg:$0x2];
	s4 =	smul.u32 $0x28, s13  }
0x4: {  	s3 =	srdreg.scid;
	s6 =	smul.u32 $0x78, s13  }
0x5: {  	s29 =	simm.s32 $0x3;
	s30 =	simm.s32 $0x5;
	s10 =	smul.u32 $0x14000, s13  }
0x6: {  	s28 =	simm.s32 $0x0;
	s5 =	sand.u32 $0x1, s3;
	s22 =	smul.u32 $0x780, s13  }
0x7: {  	s3 =	simm.s32 $0x0;
	s19 =	sadd.s32 $0xCA00, s0;
	s12 =	smul.u32 $0x50000, s13  }
0x8: {  	s31 =	sshll.u32 s13, $0x6;
	s8 =	smul.u32 $0x140000, s5;
	[smem:$0x7FF] =	sst s3  }
0x9: {  	p0 =	seq.s32 s5, $0x0;
	s21 =	ssub.s32 $0x2, s5;
	s7 =	sadd.s32 $0x780, s4  }
0xa: {  	_ =	strace $0x8000004A;
	s4 =	sadd.s32 $0xF200, s0;
	[dreg:$0x5] =	wrdreg s19  }
0xb: {  	s11 =	sshrl.u32 s21, $0x1;
	s23 =	sshrl.u32 s12, $0x2;
	s19 =	simm.s32 $0x7  }
0xc: {  	s9 =	smov.u32 s7;
	s8 =	sadd.s32 s10, s8;
	s7 =	sshll.u32 s7, $0x4  }
0xd: {  	s9 =	smov.u32 @p0 s6;
	s20 =	sshrl.u32 s8, $0x3;
	s8 =	ssub.s32 s21, s11  }
0xe: {  	s7 =	sadd.s32 s1, s7;
	s1 =	sadd.s32 s1, s22;
	s21 =	simm.s32 $0x14000  }
0xf: {  	s22 =	simm.s32 $0x1FC80;
	s6 =	sshll.u32 s9, $0x4;
	[dreg:$0x6] =	wrdreg s7  }
0x10: {  	[dreg:$0x7] =	wrdreg s1;
	s1 =	sadd.s32 s23, s2;
	s25 =	smax.u32 s8, $0x1  }
0x11: {  	s23 =	sor.u32 $0x1C07, s31;
	s18 =	sadd.s32 s6, s0;
	[dreg:$0x9] =	wrdreg s1  }
0x12: {  	s0 =	sadd.s32 s20, s0;
	s6 =	simm.s32 $0x78;
	[dreg:$0xb] =	wrdreg s25  }
0x13: {  	s20 =	simm.s32 $0x80;
	s25 =	simm.s32 $0x18000;
	s1 =	simm.s32 $0x4  }
0x14: {  	s6 =	simm.s32 @!p0 $0x28;
	s9 =	sadd.s32 $0x2200, s18;
	s24 =	sadd.s32 $0x2210, s18  }
0x15: {  	s0 =	sadd.s32 $0x37200, s0;
	s14 =	sadd.s32 $0x2220, s18;
	s15 =	sadd.s32 $0x2230, s18  }
0x16: {  	p0 =	sne.s32 s5, $0x0;
	s18 =	simm.s32 $0x1FC00;
	[dreg:$0x8] =	wrdreg s24  }
0x17: {  	[dreg:$0xa] =	wrdreg s0;
	s26 =	sshll.u32 s6, $0x4;
	s16 =	sadd.s32 $0xFFFFFFFE, s6  }
0x18: {  	s17 =	sadd.s32 $0xFFFFFFFD, s6;
	s24 =	simm.s32 $0x6;
	s0 =	sadd.s32 $0xFFFFFFC0, s26  }
0x19: {  	s26 =	simm.s32 $0x1;
	[dreg:$0x4] =	wrdreg s0;
	s0 =	simm.s32 $0x2  }
.LBB2_1:
0x1a: {  	s5 =	simm.s32 @p0 $0x0;
	s7 =	simm.s32 @p0 $0x1C000;
	s8 =	rddreg [dreg:$0x6]  }
0x1b: {  	[tilespmem:s7], [sflag:$0x7] =	stream.linear.gather @p0 [hbm4b:s8+s5], $0x1400, $0x38;
	[tilespmem:$0x1FD00] =	vst v63  }
0x1c: {  	s5 =	simm.s32 @p0 $0x7  }
0x1d: {  	_ =	swait.ge @p0 [sflag:s5], $0x1400  }
0x1e: {  	s7 =	simm.s32 @!p0 $0x1C000;
	[sflag:s5] =	ssyncset.done @p0 $0x0  }
0x1f: {  	s8 =	rddreg [dreg:$0x7];
	[sflag:s5] =	ssyncadd.s32 @p0 $0xFFFFEC00;
	s5 =	simm.s32 @!p0 $0x0  }
0x20: {  	[tilespmem:s7], [sflag:$0x7] =	stream.linear.gather @!p0 [hbm4b:s8+s5], $0x3C00, $0x38;
	[tilespmem:$0x1FD00] =	vst v63  }
0x21: {  	s5 =	simm.s32 @!p0 $0x7  }
0x22: {  	_ =	swait.ge @!p0 [sflag:s5], $0x3C00  }
0x23: {  	[sflag:s5] =	ssyncset.done @!p0 $0x0  }
0x24: {  	[sflag:s5] =	ssyncadd.s32 @!p0 $0xFFFFC400  }
0x25: {  	[tilespmem:s18], [sflag:$0x7] =	stream.linear.gather [hbm4b:s9+s3], $0x80, $0x38;
	[tilespmem:$0x1FD00] =	vst v63  }
0x26: {  	_ =	swait.ge [sflag:s19], $0x80  }
0x27: {  	[sflag:s19] =	ssyncset.done $0x0;
	s8 =	rddreg [dreg:$0x8]  }
0x28: {  	s10 =	rddreg [dreg:$0x9];
	[sflag:s19] =	ssyncadd.s32 $0xFFFFFF80  }
0x29: {  	[tilespmem:s21], [sflag:$0x1] =	stream.indirect.gather [hbm4b:s4+s20], $0x80, s18, s20, $0xb8;
	[tilespmem:$0x1FD00] =	vst v63  }
0x2a: {  	s11 =	rddreg [dreg:$0x5];
	s31 =	sshrl.u32 s10, $0x3  }
0x2b: {  	[tilespmem:s22], [sflag:$0x6] =	stream.linear.gather [hbm4b:s8+s3], $0x80, $0x38;
	[tilespmem:$0x1FD00] =	vst v63  }
0x2c: {  	[spmem:s31], [sflag:s23] =	dma.local [hbm:s11], $0x2800  }
0x2d: {  	_ =	swait.ge [sflag:s19], $0x2800  }
0x2e: {  	[sflag:s19] =	ssyncset.done $0x0  }
0x2f: {  	[sflag:s19] =	ssyncadd.s32 $0xFFFFD800  }
0x30: {  	[bflag:$0x0] =	sbarrier.arrive $0xFFFF  }
0x31: {  	_ =	swait.ge [sflag:s24], $0x80  }
0x32: {  	[sflag:s24] =	ssyncset.done $0x0  }
0x33: {  	[sflag:s24] =	ssyncadd.s32 $0xFFFFFF80  }
0x34: {  	[tilespmem:s25], [sflag:$0x2] =	stream.indirect.gather [hbm4b:s4+s20], $0x80, s22, s20, $0xb8;
	[tilespmem:$0x1FD00] =	vst v63  }
0x35: {  	_ =	swait.ge [sflag:s26], $0x4000  }
0x36: {  	[sflag:s26] =	ssyncset.done $0x0  }
0x37: {  	s12 =	simm.s32 $0x1C000;
	[sflag:s26] =	ssyncadd.s32 $0xFFFFC000  }
0x38: {  	[spmem:s2] =	stream.indirect.scatter.add.f32 [tilespmem:s21], [sflag:$0x3], $0x80, s12, s20, $0xb8;
	[tilespmem:$0x1FD00] =	vst v63  }
0x39: {  	_ = 	snop  }
0x3a: {  	[tilespmem:s18], [sflag:$0x5] =	stream.linear.gather [hbm4b:s14+s3], $0x80, $0x38;
	[tilespmem:$0x1FD00] =	vst v63  }
0x3b: {  	_ =	swait.ge [sflag:s29], $0x4000  }
0x3c: {  	[sflag:s29] =	ssyncset.done $0x0  }
0x3d: {  	[sflag:s29] =	ssyncadd.s32 $0xFFFFC000  }
0x3e: {  	_ =	swait.ge [sflag:s30], $0x80  }
0x3f: {  	[sflag:s30] =	ssyncset.done $0x0  }
0x40: {  	[sflag:s30] =	ssyncadd.s32 $0xFFFFFF80  }
0x41: {  	[tilespmem:s21], [sflag:$0x1] =	stream.indirect.gather [hbm4b:s4+s20], $0x80, s18, s20, $0xb8;
	[tilespmem:$0x1FD00] =	vst v63  }
0x42: {  	_ =	swait.ge [sflag:s0], $0x4000  }
0x43: {  	[sflag:s0] =	ssyncset.done $0x0  }
0x44: {  	s13 =	simm.s32 $0x1C080;
	[sflag:s0] =	ssyncadd.s32 $0xFFFFC000  }
0x45: {  	[spmem:s2] =	stream.indirect.scatter.add.f32 [tilespmem:s25], [sflag:$0x4], $0x80, s13, s20, $0xb8;
	[tilespmem:$0x1FD00] =	vst v63  }
0x46: {  	s7 =	simm.s32 $0x0;
	s5 =	simm.s32 $0x2;
	s10 =	simm.s32 $0x1C180  }
0x47: {  	[tilespmem:s22], [sflag:$0x6] =	stream.linear.gather [hbm4b:s15+s3], $0x80, $0x38;
	[tilespmem:$0x1FD00] =	vst v63  }
.LBB2_2:
0x48: {  	_ =	swait.ge [sflag:s1], $0x4000;
	s8 =	sadd.s32 $0x1, s5  }
0x49: {  	[sflag:s1] =	ssyncset.done $0x0;
	p1 =	sge.u32 s8, s6  }
0x4a: {  	[sflag:s1] =	ssyncadd.s32 $0xFFFFC000;
	s8 =	simm.s32 @!p1 $0x6  }
0x4b: {  	_ =	swait.ge @!p1 [sflag:s8], $0x80  }
0x4c: {  	s11 =	simm.s32 @!p1 $0x1FC80;
	[sflag:s8] =	ssyncset.done @!p1 $0x0  }
0x4d: {  	s12 =	simm.s32 @!p1 $0x18000;
	[sflag:s8] =	ssyncadd.s32 @!p1 $0xFFFFFF80;
	s8 =	simm.s32 @!p1 $0x80  }
0x4e: {  	[tilespmem:s12], [sflag:$0x2] =	stream.indirect.gather @!p1 [hbm4b:s4+s8], $0x80, s11, s8, $0xb8;
	[tilespmem:$0x1FD00] =	vst v63  }
0x4f: {  	_ =	swait.ge [sflag:s26], $0x4000  }
0x50: {  	s13 =	sadd.s32 $0xFFFFFF80, s10;
	p1 =	slt.u32 s5, s16;
	[sflag:s26] =	ssyncset.done $0x0  }
0x51: {  	s8 =	smov.u32 s10;
	s10 =	sadd.s32 @p1 s7, s9;
	[sflag:s26] =	ssyncadd.s32 $0xFFFFC000  }
0x52: {  	[spmem:s2] =	stream.indirect.scatter.add.f32 [tilespmem:s21], [sflag:$0x3], $0x80, s13, s20, $0xb8;
	[tilespmem:$0x1FD00] =	vst v63  }
0x53: {  	s11 =	simm.s32 @p1 $0x0;
	s12 =	simm.s32 @p1 $0x1FC00;
	s10 =	sadd.s32 @p1 $0x40, s10  }
0x54: {  	[tilespmem:s12], [sflag:$0x5] =	stream.linear.gather @p1 [hbm4b:s10+s11], $0x80, $0x38;
	[tilespmem:$0x1FD00] =	vst v63  }
0x55: {  	s10 =	simm.s32 @p1 $0x3  }
0x56: {  	_ =	swait.ge @p1 [sflag:s10], $0x4000  }
0x57: {  	[sflag:s10] =	ssyncset.done @p1 $0x0  }
0x58: {  	[sflag:s10] =	ssyncadd.s32 @p1 $0xFFFFC000;
	s10 =	simm.s32 @p1 $0x5  }
0x59: {  	_ =	swait.ge @p1 [sflag:s10], $0x80  }
0x5a: {  	[sflag:s10] =	ssyncset.done @p1 $0x0  }
0x5b: {  	s11 =	simm.s32 @p1 $0x14000;
	[sflag:s10] =	ssyncadd.s32 @p1 $0xFFFFFF80;
	s10 =	simm.s32 @p1 $0x80  }
0x5c: {  	[tilespmem:s11], [sflag:$0x1] =	stream.indirect.gather @p1 [hbm4b:s4+s10], $0x80, s12, s10, $0xb8;
	[tilespmem:$0x1FD00] =	vst v63  }
0x5d: {  	s10 =	simm.s32 @!p1 $0x3  }
0x5e: {  	_ =	swait.ge @!p1 [sflag:s10], $0x4000  }
0x5f: {  	[sflag:s10] =	ssyncset.done @!p1 $0x0  }
0x60: {  	[sflag:s10] =	ssyncadd.s32 @!p1 $0xFFFFC000  }
0x61: {  	p1 =	sge.u32 s5, s17;
	_ =	swait.ge [sflag:s0], $0x4000  }
0x62: {  	s10 =	sadd.s32 @!p1 s7, s9;
	[sflag:s0] =	ssyncset.done $0x0  }
0x63: {  	s11 =	simm.s32 @!p1 $0x0;
	s12 =	simm.s32 @!p1 $0x1FC80;
	[sflag:s0] =	ssyncadd.s32 $0xFFFFC000  }
0x64: {  	[spmem:s2] =	stream.indirect.scatter.add.f32 [tilespmem:s25], [sflag:$0x4], $0x80, s8, s20, $0xb8;
	[tilespmem:$0x1FD00] =	vst v63  }
0x65: {  	s7 =	sadd.s32 $0x20, s7;
	s10 =	sadd.s32 @!p1 $0x50, s10;
	s13 =	rddreg [dreg:$0x4]  }
0x66: {  	[tilespmem:s12], [sflag:$0x6] =	stream.linear.gather @!p1 [hbm4b:s10+s11], $0x80, $0x38;
	[tilespmem:$0x1FD00] =	vst v63  }
0x67: {  	p1 =	sne.s32 s13, s7  }
.Ltmp0:
0x68: {  	_ = 	snop;
	(pc) =	sbr.rel @p1 .LBB2_2-.Ltmp0, $2  }
0x69: {  	_ =	sdelay $0x2  }
0x6a: {  	s5 =	sadd.s32 $0x2, s5;
	s10 =	sadd.s32 $0x100, s8  }
0x6b: {  	_ =	swait.ge [sflag:s1], $0x4000;
	s11 =	sadd.s32 $0x1, s5  }
0x6c: {  	[sflag:s1] =	ssyncset.done $0x0;
	p1 =	sge.u32 s11, s6  }
0x6d: {  	[sflag:s1] =	ssyncadd.s32 $0xFFFFC000;
	s11 =	simm.s32 @!p1 $0x6  }
0x6e: {  	_ =	swait.ge @!p1 [sflag:s11], $0x80  }
0x6f: {  	s12 =	simm.s32 @!p1 $0x1FC80;
	[sflag:s11] =	ssyncset.done @!p1 $0x0  }
0x70: {  	s13 =	simm.s32 @!p1 $0x18000;
	[sflag:s11] =	ssyncadd.s32 @!p1 $0xFFFFFF80;
	s11 =	simm.s32 @!p1 $0x80  }
0x71: {  	[tilespmem:s13], [sflag:$0x2] =	stream.indirect.gather @!p1 [hbm4b:s4+s11], $0x80, s12, s11, $0xb8;
	[tilespmem:$0x1FD00] =	vst v63  }
0x72: {  	_ =	swait.ge [sflag:s26], $0x4000  }
0x73: {  	[sflag:s26] =	ssyncset.done $0x0  }
0x74: {  	s8 =	sadd.s32 $0x80, s8;
	p1 =	slt.u32 s5, s16;
	[sflag:s26] =	ssyncadd.s32 $0xFFFFC000  }
0x75: {  	[spmem:s2] =	stream.indirect.scatter.add.f32 [tilespmem:s21], [sflag:$0x3], $0x80, s8, s20, $0xb8;
	[tilespmem:$0x1FD00] =	vst v63  }
0x76: {  	s8 =	sadd.s32 @p1 s7, s9  }
0x77: {  	s11 =	simm.s32 @p1 $0x0;
	s12 =	simm.s32 @p1 $0x1FC00;
	s8 =	sadd.s32 @p1 $0x40, s8  }
0x78: {  	[tilespmem:s12], [sflag:$0x5] =	stream.linear.gather @p1 [hbm4b:s8+s11], $0x80, $0x38;
	[tilespmem:$0x1FD00] =	vst v63  }
0x79: {  	s8 =	simm.s32 @p1 $0x3  }
0x7a: {  	_ =	swait.ge @p1 [sflag:s8], $0x4000  }
0x7b: {  	[sflag:s8] =	ssyncset.done @p1 $0x0  }
0x7c: {  	[sflag:s8] =	ssyncadd.s32 @p1 $0xFFFFC000;
	s8 =	simm.s32 @p1 $0x5  }
0x7d: {  	_ =	swait.ge @p1 [sflag:s8], $0x80  }
0x7e: {  	[sflag:s8] =	ssyncset.done @p1 $0x0  }
0x7f: {  	s11 =	simm.s32 @p1 $0x14000;
	[sflag:s8] =	ssyncadd.s32 @p1 $0xFFFFFF80;
	s8 =	simm.s32 @p1 $0x80  }
0x80: {  	[tilespmem:s11], [sflag:$0x1] =	stream.indirect.gather @p1 [hbm4b:s4+s8], $0x80, s12, s8, $0xb8;
	[tilespmem:$0x1FD00] =	vst v63  }
0x81: {  	s8 =	simm.s32 @!p1 $0x3  }
0x82: {  	_ =	swait.ge @!p1 [sflag:s8], $0x4000  }
0x83: {  	[sflag:s8] =	ssyncset.done @!p1 $0x0  }
0x84: {  	[sflag:s8] =	ssyncadd.s32 @!p1 $0xFFFFC000  }
0x85: {  	_ =	swait.ge [sflag:s0], $0x4000  }
0x86: {  	p1 =	sge.u32 s5, s17;
	[sflag:s0] =	ssyncset.done $0x0  }
0x87: {  	s5 =	sadd.s32 @!p1 s7, s9;
	[sflag:s0] =	ssyncadd.s32 $0xFFFFC000  }
0x88: {  	[spmem:s2] =	stream.indirect.scatter.add.f32 [tilespmem:s25], [sflag:$0x4], $0x80, s10, s20, $0xb8;
	[tilespmem:$0x1FD00] =	vst v63  }
0x89: {  	s7 =	simm.s32 @!p1 $0x0;
	s8 =	simm.s32 @!p1 $0x1FC80;
	s5 =	sadd.s32 @!p1 $0x50, s5  }
0x8a: {  	[tilespmem:s8], [sflag:$0x6] =	stream.linear.gather @!p1 [hbm4b:s5+s7], $0x80, $0x38;
	[tilespmem:$0x1FD00] =	vst v63  }
0x8b: {  	_ =	swait.ge [sflag:s1], $0x4000  }
0x8c: {  	[sflag:s1] =	ssyncset.done $0x0  }
0x8d: {  	[sflag:s1] =	ssyncadd.s32 $0xFFFFC000  }
0x8e: {  	[bflag:$0x0] =	sbarrier.arrive $0xFFFF  }
0x8f: {  	s13 =	rddreg [dreg:$0xa]  }
0x90: {  	[hbm:s13], [sflag:s23] =	dma.local [spmem:s31], $0x2800  }
0x91: {  	_ =	swait.ge [sflag:s19], $0x2800  }
0x92: {  	s28 =	sadd.s32 $0x1, s28;
	s31 =	rddreg [dreg:$0xb]  }
0x93: {  	p1 =	sne.s32 s28, s31  }
.Ltmp1:
0x94: {  	_ = 	snop;
	(pc) =	sbr.rel @p1 .LBB2_1-.Ltmp1, $3  }
0x95: {  	_ =	sdelay $0x1  }
0x96: {  	[sflag:s19] =	ssyncset.done $0x0  }
0x97: {  	[sflag:s19] =	ssyncadd.s32 $0xFFFFD800  }
0x98: {  	_ =	sfence.sel $0x180000  }
0x99: {  	[bflag:$0x0] =	sbarrier.arrive $0xFFFF  }
0x9a: {  	_ =	strace $0x9000004A  }
0x9b: {  	s0 =	stileid.u32;
	[bflag:$0x2] =	sbarrier.arrive $0xFFFF  }
0x9c: {  	p0 =	sne.s32 s0, $0x0;
	s0 =	rddreg [dreg:$0x3]  }
0x9d: {  	s0 =	sadd.s32 @!p0 $0x100000, s0  }
0x9e: {  	[sflag:s0] =	ssyncadd.tile.s32 @!p0 $0x1;
	_ =	shalt  }
.Lfunc_end2:
_tile_overlayer_lowered:
.L_overlay_start_2:
0x9f: {  	(tag) =	ssettag $0x2  }
0xa0: {  	s0 =	rddreg [dreg:$0x0];
	s2 =	stileid.u32  }
0xa1: {  	s1 =	rddreg [dreg:$0x1];
	p0 =	sne.s32 s2, $0x0  }
0xa2: {  	s3 =	rddreg [dreg:$0x2];
	[bflag:$0x3] =	sbarrier.arrive $0xFFFF;
	s2 =	simm.s32 @!p0 $0x1C07  }
0xa3: {  	[timem:s3], [sflag:s2] =	dma.local @!p0 [hbm:s0], s1  }
0xa4: {  	s0 =	simm.s32 @!p0 $0x7  }
0xa5: {  	_ =	swait.ge @!p0 [sflag:s0], s1  }
0xa6: {  	s1 =	ssub.s32 @!p0 $0x0, s1;
	[sflag:s0] =	ssyncset.done @!p0 $0x0  }
0xa7: {  	[sflag:s0] =	ssyncadd.s32 @!p0 s1  }
0xa8: {  	[bflag:$0x3] =	sbarrier.arrive $0xFFFF  }
0xa9: {  	_ =	shalt  }

// kernel: kernel.14.cloned.1.call-start
scs
__scs_entry_jumppad:
0x0: {  	(pc) =	sbr.rel $0x88, $3  }
0x1: {  	(tag) =	ssettag $0x0;
	lr =	simm.s32 $0x1  }
0x2: {  	[smem:$0x3F9B] =	sst lr;
	_ =	strace $0xD0000000  }
0x3: {  	_ = 	snop  }
0x4: {  	_ = 	snop  }
0x5: {  	_ = 	snop  }
0x6: {  	_ = 	snop  }
0x7: {  	_ = 	snop  }
__scs_overlays_trampoline_lowered:
0x8: {  	[smem:$0x3FAA] =	sst s0  }
0x9: {  	[smem:$0x3FAB] =	sst s1  }
0xa: {  	[smem:$0x3FAC] =	sst s2  }
0xb: {  	[smem:$0x3FAD] =	sst s3  }
0xc: {  	[smem:$0x3FAE] =	sst s4  }
0xd: {  	[smem:$0x3FAF] =	sst s5  }
0xe: {  	[smem:$0x3FB0] =	sst s6  }
0xf: {  	[smem:$0x3FB1] =	sst s7  }
0x10: {  	[smem:$0x3FB2] =	sst s8  }
0x11: {  	[smem:$0x3FB3] =	sst s9;
	s0 =	simm.s32 @!p0 $0x0  }
0x12: {  	s1 =	sld [smem:$0x3F99];
	s0 =	simm.s32 @p0 $0x1  }
0x13: {  	[smem:$0x3FB4] =	sst s0;
	s0 =	simm.s32 @!p1 $0x0  }
0x14: {  	s2 =	sld [smem:$0x3F98];
	s0 =	simm.s32 @p1 $0x1  }
0x15: {  	[smem:$0x3FB5] =	sst s0;
	s0 =	simm.s32 @!p2 $0x0  }
0x16: {  	s3 =	sld [smem:$0x3FDB];
	s0 =	simm.s32 @p2 $0x1  }
0x17: {  	s4 =	simm.s32 $0x1BF5;
	[smem:$0x3FB7] =	sst s0  }
0x18: {  	s0 =	sld [smem:$0x3F9A];
	_ =	swait.ge [sflag:s4], $0x0  }
0x19: {  	s7 =	sld [smem:$0x3F9B]  }
0x1a: {  	s8 =	sadd.s32 $0xFFFFE003, lr  }
0x1b: {  	s9 =	sadd.s32 $0xFFFFFEF7, lr;
	s5 =	simm.s32 $0xFFFFFFFF;
	p2 =	slt.u32 s8, $0xFFFFF086  }
0x1c: {  	p1 =	slt.u32 s9, $0xF7A;
	s5 =	simm.s32 @!p2 $0x0  }
0x1d: {  	s5 =	simm.s32 @p1 $0x1;
	p0 =	seq.s32 s7, s2  }
0x1e: {  	s7 =	smul.u32 @!p0 $0xF7A, s2;
	p2 =	seq.s32 @!p0 s5, $0x0  }
0x1f: {  	s9 =	smul.u32 $0xF7A, s1;
	s8 =	simm.s32 @!p0 $0x1BF5;
	p2 =	por !p2, p0  }
0x20: {  	[sflag:s8] =	ssyncset.s32 @!p0 $0xFFFFF086;
	s6 =	sadd.s32 @!p0 s3, s7;
	s7 =	simm.s32 @!p0 $0x108  }
0x21: {  	s3 =	sadd.s32 s3, s9;
	s6 =	sadd.s32 @!p0 $0x88, s6;
	s7 =	simm.s32 @p2 $0x1082  }
0x22: {  	[simem:s7], [sflag:s8] =	dma.local @!p0 [hbm:s6], $0xF7A  }
0x23: {  	s9 =	sor.u32 $0xD0000000, s2;
	s6 =	simm.s32 $0x108;
	_ =	swait.ge @!p0 [sflag:s8], $0x0  }
0x24: {  	s3 =	sadd.s32 $0x88, s3;
	s6 =	simm.s32 @!p1 $0x1082;
	[sflag:s4] =	ssyncset.s32 $0xFFFFF086  }
0x25: {  	[simem:s6], [sflag:s4] =	dma.local [hbm:s3], $0xF7A  }
0x26: {  	[smem:$0x3F9B] =	sst s1;
	(tag) =	ssettag s2;
	_ =	strace s9  }
0x27: {  	s1 =	sld [smem:$0x3FAB]  }
0x28: {  	s2 =	sld [smem:$0x3FAC]  }
0x29: {  	s4 =	sld [smem:$0x3FAE]  }
0x2a: {  	p0 =	seq.s32 s5, $0x0;
	s5 =	sld [smem:$0x3FAF]  }
0x2b: {  	s6 =	sld [smem:$0x3FB0]  }
0x2c: {  	s7 =	sld [smem:$0x3FB1]  }
0x2d: {  	s3 =	simm.s32 $0x108;
	s8 =	sld [smem:$0x3FB2]  }
0x2e: {  	s3 =	simm.s32 @!p0 $0x1082;
	s9 =	sld [smem:$0x3FB3]  }
0x2f: {  	lr =	sadd.s32 s0, s3;
	s0 =	sld [smem:$0x3FAA]  }
0x30: {  	s3 =	sld [smem:$0x3FAD]  }
0x31: {  	[smem:$0x3FB6] =	sst s10  }
0x32: {  	s10 =	sld [smem:$0x3FB4];
	_ =	sdelay $0x3  }
0x33: {  	p0 =	seq.s32 s10, $0x1;
	s10 =	sld [smem:$0x3FB6];
	_ =	sdelay $0x3  }
0x34: {  	[smem:$0x3FB6] =	sst s10  }
0x35: {  	s10 =	sld [smem:$0x3FB5];
	_ =	sdelay $0x3  }
0x36: {  	p1 =	seq.s32 s10, $0x1;
	s10 =	sld [smem:$0x3FB6];
	_ =	sdelay $0x3  }
0x37: {  	[smem:$0x3FB6] =	sst s10  }
0x38: {  	s10 =	sld [smem:$0x3FB7]  }
0x39: {  	_ = 	snop;
	(pc) =	sbr.ind lr, $3  }
0x3a: {  	_ = 	snop  }
0x3b: {  	_ = 	snop  }
0x3c: {  	p2 =	seq.s32 s10, $0x1;
	s10 =	sld [smem:$0x3FB6]  }
0x3d: {  	_ =	shalt  }
0x3e: {  	_ =	shalt  }
0x3f: {  	_ =	shalt  }
0x40: {  	_ =	shalt  }
0x41: {  	_ =	shalt  }
0x42: {  	_ =	shalt  }
0x43: {  	_ =	shalt  }
0x44: {  	_ =	shalt  }
0x45: {  	_ =	shalt  }
0x46: {  	_ =	shalt  }
0x47: {  	_ =	shalt  }
0x48: {  	_ =	shalt  }
0x49: {  	_ =	shalt  }
0x4a: {  	_ =	shalt  }
0x4b: {  	_ =	shalt  }
0x4c: {  	_ =	shalt  }
0x4d: {  	_ =	shalt  }
0x4e: {  	_ =	shalt  }
0x4f: {  	_ =	shalt  }
0x50: {  	_ =	shalt  }
0x51: {  	_ =	shalt  }
0x52: {  	_ =	shalt  }
0x53: {  	_ =	shalt  }
0x54: {  	_ =	shalt  }
0x55: {  	_ =	shalt  }
0x56: {  	_ =	shalt  }
0x57: {  	_ =	shalt  }
0x58: {  	_ =	shalt  }
0x59: {  	_ =	shalt  }
0x5a: {  	_ =	shalt  }
0x5b: {  	_ =	shalt  }
0x5c: {  	_ =	shalt  }
0x5d: {  	_ =	shalt  }
0x5e: {  	_ =	shalt  }
0x5f: {  	_ =	shalt  }
0x60: {  	_ =	shalt  }
0x61: {  	_ =	shalt  }
0x62: {  	_ =	shalt  }
0x63: {  	_ =	shalt  }
0x64: {  	_ =	shalt  }
0x65: {  	_ =	shalt  }
0x66: {  	_ =	shalt  }
0x67: {  	_ =	shalt  }
0x68: {  	_ =	shalt  }
0x69: {  	_ =	shalt  }
0x6a: {  	_ =	shalt  }
0x6b: {  	_ =	shalt  }
0x6c: {  	_ =	shalt  }
0x6d: {  	_ =	shalt  }
0x6e: {  	_ =	shalt  }
0x6f: {  	_ =	shalt  }
0x70: {  	_ =	shalt  }
0x71: {  	_ =	shalt  }
0x72: {  	_ =	shalt  }
0x73: {  	_ =	shalt  }
0x74: {  	_ =	shalt  }
0x75: {  	_ =	shalt  }
0x76: {  	_ =	shalt  }
0x77: {  	_ =	shalt  }
0x78: {  	_ =	shalt  }
0x79: {  	_ =	shalt  }
0x7a: {  	_ =	shalt  }
0x7b: {  	_ =	shalt  }
0x7c: {  	_ =	shalt  }
0x7d: {  	_ =	shalt  }
0x7e: {  	_ =	shalt  }
0x7f: {  	_ =	shalt  }
0x80: {  	_ =	shalt  }
0x81: {  	_ =	shalt  }
0x82: {  	_ =	shalt  }
0x83: {  	_ =	shalt  }
0x84: {  	_ =	shalt  }
0x85: {  	_ =	shalt  }
0x86: {  	_ =	shalt  }
0x87: {  	_ =	shalt  }
.Lfunc_end0:
.L_simem_size_0:
called_computation.2_lowered:
.L_overlay_start_0:
0x88: {  	s2 =	sld [smem:$0x3FD9]  }
0x89: {  	s3 =	sld [smem:$0x3FFE];
	_ =	sdelay $0x1  }
0x8a: {  	s1 =	srdreg.scid  }
0x8b: {  	s0 =	sand.u32 $0x1, s1  }
0x8c: {  	s17 =	sshll.u32 s0, $0xA;
	s2 =	sadd.s32 s3, s2  }
0x8d: {  	s2 =	sadd.s32 s2, s17  }
0x8e: {  	[smem:$0x3FC2] =	sst s2  }
0x8f: {  	_ = 	snop  }
0x90: {  	s2 =	sld [smem:$0x3FD0];
	(tm) =	ssettm $0x1  }
0x91: {  	s18 =	sld [smem:$0x3FFB];
	_ =	sdelay $0x3  }
0x92: {  	_ =	strace s18  }
0x93: {  	s3 =	sld [smem:$0x3FFC];
	_ =	sdelay $0x3  }
0x94: {  	_ =	strace s3  }
0x95: {  	s3 =	sld [smem:$0x3FFD];
	_ =	sdelay $0x3  }
0x96: {  	_ =	strace s3  }
0x97: {  	_ =	strace $0x8FFFFFFF  }
0x98: {  	s19 =	sld [smem:$0x3FDB];
	_ =	sdelay $0x1  }
0x99: {  	s4 =	simm.s32 $_scs_section_size  }
0x9a: {  	s5 =	simm.s32 $_size__tile_overlayer_lowered;
	s6 =	simm.s32 $_tile_overlayer_lowered  }
0x9b: {  	s22 =	simm.s32 $0x1BFF;
	s21 =	sshll.u32 s6, $0x1;
	s3 =	sadd.s32 s4, s19  }
0x9c: {  	s7 =	simm.s32 $0x0;
	s20 =	sshll.u32 s5, $0x1;
	s5 =	sadd.s32 s21, s3  }
0x9d: {  	[timem:s7], [sflag:s22] =	dma.local [hbm:s5], s20  }
0x9e: {  	_ =	swait.ge [sflag:s22], s20  }
0x9f: {  	s4 =	ssub.s32 $0x0, s20;
	[sflag:s22] =	ssyncset.done $0x0  }
0xa0: {  	[sflag:s22] =	ssyncadd.s32 s4;
	_ =	sdelay $0x1  }
0xa1: {  	s23 =	simm.s32 $0x1B8B  }
0xa2: {  	_ =	swait.ge [sflag:s23], $0x1  }
0xa3: {  	[sflag:s23] =	ssyncset.done $0x0  }
0xa4: {  	s25 =	simm.s32 $0x1B8E;
	s24 =	sld [smem:$0x3FFE];
	[sflag:s23] =	ssyncadd.s32 $0xFFFFFFFF  }
0xa5: {  	s26 =	simm.s32 $execute0_lowered;
	[smem:$0x3FD2] =	sst s25  }
0xa6: {  	s5 =	sshll.u32 s26, $0x1;
	_ =	strace $0x8000004C;
	[dreg:$0x1] =	wrdreg $0xFFFFFFFF  }
0xa7: {  	s28 =	simm.s32 $_size_execute0_lowered;
	s3 =	sadd.s32 s3, s5;
	[dreg:$0x0] =	wrdreg $0x0  }
0xa8: {  	s5 =	sshll.u32 s28, $0x1;
	[dreg:$0x2] =	wrdreg s3  }
0xa9: {  	[dreg:$0x3] =	wrdreg s5  }
0xaa: {  	[dreg:$0x4] =	wrdreg $0xC0  }
0xab: {  	_ =	task [dreg:s7], $0x5FFFF  }
0xac: {  	[dreg:$0x1] =	wrdreg $0xFFFFFFFF  }
0xad: {  	[dreg:$0x0] =	wrdreg $0x60  }
0xae: {  	[dreg:$0x2] =	wrdreg s24  }
0xaf: {  	[dreg:$0x3] =	wrdreg s2  }
0xb0: {  	[dreg:$0x4] =	wrdreg $0x0  }
0xb1: {  	[dreg:$0x5] =	wrdreg $0x9  }
0xb2: {  	_ =	task.clear_ibuf [dreg:s7], $0x6FFFF;
	_ =	strace $0x9000004C  }
0xb3: {  	s29 =	simm.s32 $0x9;
	_ =	strace $0x8000004E  }
0xb4: {  	_ =	swait.ge [sflag:s29], $0x1  }
0xb5: {  	[sflag:s29] =	ssyncadd.s32 $0xFFFFFFFF  }
0xb6: {  	_ =	strace $0x9000004E  }
0xb7: {  	_ =	sfence  }
0xb8: {  	s30 =	sld [smem:$0x0];
	_ =	sdelay $0x2  }
0xb9: {  	s31 =	sshll.u32 s1, $0xD;
	s1 =	sshrl.u32 s1, $0x2  }
0xba: {  	s3 =	sand.u32 $0x4000, s31;
	s1 =	sadd.s32 s1, s30  }
0xbb: {  	s0 =	sor.u32 s3, s0;
	s1 =	sshll.u32 s1, $0x11  }
0xbc: {  	s0 =	sor.u32 s1, s0  }
0xbd: {  	s0 =	sadd.s32 $0x8F2B, s0  }
0xbe: {  	[sflag:s0] =	ssyncadd.remote.s32 $0x1  }
0xbf: {  	_ =	sfence.sel $0xFFFF  }
0xc0: {  	[dreg:$0x0] =	wrdreg $0xFFFFFFFF;
	(pc) =	sbr.abs _section_cstart, $3  }
0xc1: {  	[dreg:$0x1] =	wrdreg $0xFFFFFFFF  }
0xc2: {  	_ =	task.clear_ibuf [dreg:s7], $0x2FFFF;
	_ =	strace $0x9FFFFFFF  }
0xc3: {  	(tm) =	ssettm $0x7FFFFFFF  }
tec
execute0_lowered:
.L_overlay_start_1:
0x0: {  	(tag) =	ssettag $0x1  }
0x1: {  	s0 =	rddreg [dreg:$0x0]  }
0x2: {  	s1 =	rddreg [dreg:$0x1];
	s13 =	stileid.u32  }
0x3: {  	s2 =	rddreg [dreg:$0x2];
	s4 =	smul.u32 $0x28, s13  }
0x4: {  	s3 =	srdreg.scid;
	s6 =	smul.u32 $0x78, s13  }
0x5: {  	s29 =	simm.s32 $0x3;
	s30 =	simm.s32 $0x5;
	s10 =	smul.u32 $0x14000, s13  }
0x6: {  	s28 =	simm.s32 $0x0;
	s5 =	sand.u32 $0x1, s3;
	s22 =	smul.u32 $0x780, s13  }
0x7: {  	s3 =	simm.s32 $0x0;
	s19 =	sadd.s32 $0xCA00, s0;
	s12 =	smul.u32 $0x50000, s13  }
0x8: {  	s31 =	sshll.u32 s13, $0x6;
	s8 =	smul.u32 $0x140000, s5;
	[smem:$0x7FF] =	sst s3  }
0x9: {  	p0 =	seq.s32 s5, $0x0;
	s21 =	ssub.s32 $0x2, s5;
	s7 =	sadd.s32 $0x780, s4  }
0xa: {  	_ =	strace $0x8000004D;
	s4 =	sadd.s32 $0xF200, s0;
	[dreg:$0x5] =	wrdreg s19  }
0xb: {  	s11 =	sshrl.u32 s21, $0x1;
	s23 =	sshrl.u32 s12, $0x2;
	s19 =	simm.s32 $0x7  }
0xc: {  	s9 =	smov.u32 s7;
	s8 =	sadd.s32 s10, s8;
	s7 =	sshll.u32 s7, $0x4  }
0xd: {  	s9 =	smov.u32 @p0 s6;
	s20 =	sshrl.u32 s8, $0x3;
	s8 =	ssub.s32 s21, s11  }
0xe: {  	s7 =	sadd.s32 s1, s7;
	s1 =	sadd.s32 s1, s22;
	s21 =	simm.s32 $0x14000  }
0xf: {  	s22 =	simm.s32 $0x1FC80;
	s6 =	sshll.u32 s9, $0x4;
	[dreg:$0x6] =	wrdreg s7  }
0x10: {  	[dreg:$0x7] =	wrdreg s1;
	s1 =	sadd.s32 s23, s2;
	s25 =	smax.u32 s8, $0x1  }
0x11: {  	s23 =	sor.u32 $0x1C07, s31;
	s18 =	sadd.s32 s6, s0;
	[dreg:$0x9] =	wrdreg s1  }
0x12: {  	s0 =	sadd.s32 s20, s0;
	s6 =	simm.s32 $0x78;
	[dreg:$0xb] =	wrdreg s25  }
0x13: {  	s20 =	simm.s32 $0x80;
	s25 =	simm.s32 $0x18000;
	s1 =	simm.s32 $0x4  }
0x14: {  	s6 =	simm.s32 @!p0 $0x28;
	s9 =	sadd.s32 $0x2200, s18;
	s24 =	sadd.s32 $0x2210, s18  }
0x15: {  	s0 =	sadd.s32 $0x37200, s0;
	s14 =	sadd.s32 $0x2220, s18;
	s15 =	sadd.s32 $0x2230, s18  }
0x16: {  	p0 =	sne.s32 s5, $0x0;
	s18 =	simm.s32 $0x1FC00;
	[dreg:$0x8] =	wrdreg s24  }
0x17: {  	[dreg:$0xa] =	wrdreg s0;
	s26 =	sshll.u32 s6, $0x4;
	s16 =	sadd.s32 $0xFFFFFFFE, s6  }
0x18: {  	s17 =	sadd.s32 $0xFFFFFFFD, s6;
	s24 =	simm.s32 $0x6;
	s0 =	sadd.s32 $0xFFFFFFC0, s26  }
0x19: {  	s26 =	simm.s32 $0x1;
	[dreg:$0x4] =	wrdreg s0;
	s0 =	simm.s32 $0x2  }
.LBB2_1:
0x1a: {  	s5 =	simm.s32 @p0 $0x0;
	s7 =	simm.s32 @p0 $0x1C000;
	s8 =	rddreg [dreg:$0x6]  }
0x1b: {  	[tilespmem:s7], [sflag:$0x7] =	stream.linear.gather @p0 [hbm4b:s8+s5], $0x1400, $0x38;
	[tilespmem:$0x1FD00] =	vst v63  }
0x1c: {  	s5 =	simm.s32 @p0 $0x7  }
0x1d: {  	_ =	swait.ge @p0 [sflag:s5], $0x1400  }
0x1e: {  	s7 =	simm.s32 @!p0 $0x1C000;
	[sflag:s5] =	ssyncset.done @p0 $0x0  }
0x1f: {  	s8 =	rddreg [dreg:$0x7];
	[sflag:s5] =	ssyncadd.s32 @p0 $0xFFFFEC00;
	s5 =	simm.s32 @!p0 $0x0  }
0x20: {  	[tilespmem:s7], [sflag:$0x7] =	stream.linear.gather @!p0 [hbm4b:s8+s5], $0x3C00, $0x38;
	[tilespmem:$0x1FD00] =	vst v63  }
0x21: {  	s5 =	simm.s32 @!p0 $0x7  }
0x22: {  	_ =	swait.ge @!p0 [sflag:s5], $0x3C00  }
0x23: {  	[sflag:s5] =	ssyncset.done @!p0 $0x0  }
0x24: {  	[sflag:s5] =	ssyncadd.s32 @!p0 $0xFFFFC400  }
0x25: {  	[tilespmem:s18], [sflag:$0x7] =	stream.linear.gather [hbm4b:s9+s3], $0x80, $0x38;
	[tilespmem:$0x1FD00] =	vst v63  }
0x26: {  	_ =	swait.ge [sflag:s19], $0x80  }
0x27: {  	[sflag:s19] =	ssyncset.done $0x0;
	s8 =	rddreg [dreg:$0x8]  }
0x28: {  	s10 =	rddreg [dreg:$0x9];
	[sflag:s19] =	ssyncadd.s32 $0xFFFFFF80  }
0x29: {  	[tilespmem:s21], [sflag:$0x1] =	stream.indirect.gather [hbm4b:s4+s20], $0x80, s18, s20, $0xb8;
	[tilespmem:$0x1FD00] =	vst v63  }
0x2a: {  	s11 =	rddreg [dreg:$0x5];
	s31 =	sshrl.u32 s10, $0x3  }
0x2b: {  	[tilespmem:s22], [sflag:$0x6] =	stream.linear.gather [hbm4b:s8+s3], $0x80, $0x38;
	[tilespmem:$0x1FD00] =	vst v63  }
0x2c: {  	[spmem:s31], [sflag:s23] =	dma.local [hbm:s11], $0x2800  }
0x2d: {  	_ =	swait.ge [sflag:s19], $0x2800  }
0x2e: {  	[sflag:s19] =	ssyncset.done $0x0  }
0x2f: {  	[sflag:s19] =	ssyncadd.s32 $0xFFFFD800  }
0x30: {  	[bflag:$0x0] =	sbarrier.arrive $0xFFFF  }
0x31: {  	_ =	swait.ge [sflag:s24], $0x80  }
0x32: {  	[sflag:s24] =	ssyncset.done $0x0  }
0x33: {  	[sflag:s24] =	ssyncadd.s32 $0xFFFFFF80  }
0x34: {  	[tilespmem:s25], [sflag:$0x2] =	stream.indirect.gather [hbm4b:s4+s20], $0x80, s22, s20, $0xb8;
	[tilespmem:$0x1FD00] =	vst v63  }
0x35: {  	_ =	swait.ge [sflag:s26], $0x4000  }
0x36: {  	[sflag:s26] =	ssyncset.done $0x0  }
0x37: {  	s12 =	simm.s32 $0x1C000;
	[sflag:s26] =	ssyncadd.s32 $0xFFFFC000  }
0x38: {  	[spmem:s2] =	stream.indirect.scatter.add.f32 [tilespmem:s21], [sflag:$0x3], $0x80, s12, s20, $0xb8;
	[tilespmem:$0x1FD00] =	vst v63  }
0x39: {  	_ = 	snop  }
0x3a: {  	[tilespmem:s18], [sflag:$0x5] =	stream.linear.gather [hbm4b:s14+s3], $0x80, $0x38;
	[tilespmem:$0x1FD00] =	vst v63  }
0x3b: {  	_ =	swait.ge [sflag:s29], $0x4000  }
0x3c: {  	[sflag:s29] =	ssyncset.done $0x0  }
0x3d: {  	[sflag:s29] =	ssyncadd.s32 $0xFFFFC000  }
0x3e: {  	_ =	swait.ge [sflag:s30], $0x80  }
0x3f: {  	[sflag:s30] =	ssyncset.done $0x0  }
0x40: {  	[sflag:s30] =	ssyncadd.s32 $0xFFFFFF80  }
0x41: {  	[tilespmem:s21], [sflag:$0x1] =	stream.indirect.gather [hbm4b:s4+s20], $0x80, s18, s20, $0xb8;
	[tilespmem:$0x1FD00] =	vst v63  }
0x42: {  	_ =	swait.ge [sflag:s0], $0x4000  }
0x43: {  	[sflag:s0] =	ssyncset.done $0x0  }
0x44: {  	s13 =	simm.s32 $0x1C080;
	[sflag:s0] =	ssyncadd.s32 $0xFFFFC000  }
0x45: {  	[spmem:s2] =	stream.indirect.scatter.add.f32 [tilespmem:s25], [sflag:$0x4], $0x80, s13, s20, $0xb8;
	[tilespmem:$0x1FD00] =	vst v63  }
0x46: {  	s7 =	simm.s32 $0x0;
	s5 =	simm.s32 $0x2;
	s10 =	simm.s32 $0x1C180  }
0x47: {  	[tilespmem:s22], [sflag:$0x6] =	stream.linear.gather [hbm4b:s15+s3], $0x80, $0x38;
	[tilespmem:$0x1FD00] =	vst v63  }
.LBB2_2:
0x48: {  	_ =	swait.ge [sflag:s1], $0x4000;
	s8 =	sadd.s32 $0x1, s5  }
0x49: {  	[sflag:s1] =	ssyncset.done $0x0;
	p1 =	sge.u32 s8, s6  }
0x4a: {  	[sflag:s1] =	ssyncadd.s32 $0xFFFFC000;
	s8 =	simm.s32 @!p1 $0x6  }
0x4b: {  	_ =	swait.ge @!p1 [sflag:s8], $0x80  }
0x4c: {  	s11 =	simm.s32 @!p1 $0x1FC80;
	[sflag:s8] =	ssyncset.done @!p1 $0x0  }
0x4d: {  	s12 =	simm.s32 @!p1 $0x18000;
	[sflag:s8] =	ssyncadd.s32 @!p1 $0xFFFFFF80;
	s8 =	simm.s32 @!p1 $0x80  }
0x4e: {  	[tilespmem:s12], [sflag:$0x2] =	stream.indirect.gather @!p1 [hbm4b:s4+s8], $0x80, s11, s8, $0xb8;
	[tilespmem:$0x1FD00] =	vst v63  }
0x4f: {  	_ =	swait.ge [sflag:s26], $0x4000  }
0x50: {  	s13 =	sadd.s32 $0xFFFFFF80, s10;
	p1 =	slt.u32 s5, s16;
	[sflag:s26] =	ssyncset.done $0x0  }
0x51: {  	s8 =	smov.u32 s10;
	s10 =	sadd.s32 @p1 s7, s9;
	[sflag:s26] =	ssyncadd.s32 $0xFFFFC000  }
0x52: {  	[spmem:s2] =	stream.indirect.scatter.add.f32 [tilespmem:s21], [sflag:$0x3], $0x80, s13, s20, $0xb8;
	[tilespmem:$0x1FD00] =	vst v63  }
0x53: {  	s11 =	simm.s32 @p1 $0x0;
	s12 =	simm.s32 @p1 $0x1FC00;
	s10 =	sadd.s32 @p1 $0x40, s10  }
0x54: {  	[tilespmem:s12], [sflag:$0x5] =	stream.linear.gather @p1 [hbm4b:s10+s11], $0x80, $0x38;
	[tilespmem:$0x1FD00] =	vst v63  }
0x55: {  	s10 =	simm.s32 @p1 $0x3  }
0x56: {  	_ =	swait.ge @p1 [sflag:s10], $0x4000  }
0x57: {  	[sflag:s10] =	ssyncset.done @p1 $0x0  }
0x58: {  	[sflag:s10] =	ssyncadd.s32 @p1 $0xFFFFC000;
	s10 =	simm.s32 @p1 $0x5  }
0x59: {  	_ =	swait.ge @p1 [sflag:s10], $0x80  }
0x5a: {  	[sflag:s10] =	ssyncset.done @p1 $0x0  }
0x5b: {  	s11 =	simm.s32 @p1 $0x14000;
	[sflag:s10] =	ssyncadd.s32 @p1 $0xFFFFFF80;
	s10 =	simm.s32 @p1 $0x80  }
0x5c: {  	[tilespmem:s11], [sflag:$0x1] =	stream.indirect.gather @p1 [hbm4b:s4+s10], $0x80, s12, s10, $0xb8;
	[tilespmem:$0x1FD00] =	vst v63  }
0x5d: {  	s10 =	simm.s32 @!p1 $0x3  }
0x5e: {  	_ =	swait.ge @!p1 [sflag:s10], $0x4000  }
0x5f: {  	[sflag:s10] =	ssyncset.done @!p1 $0x0  }
0x60: {  	[sflag:s10] =	ssyncadd.s32 @!p1 $0xFFFFC000  }
0x61: {  	p1 =	sge.u32 s5, s17;
	_ =	swait.ge [sflag:s0], $0x4000  }
0x62: {  	s10 =	sadd.s32 @!p1 s7, s9;
	[sflag:s0] =	ssyncset.done $0x0  }
0x63: {  	s11 =	simm.s32 @!p1 $0x0;
	s12 =	simm.s32 @!p1 $0x1FC80;
	[sflag:s0] =	ssyncadd.s32 $0xFFFFC000  }
0x64: {  	[spmem:s2] =	stream.indirect.scatter.add.f32 [tilespmem:s25], [sflag:$0x4], $0x80, s8, s20, $0xb8;
	[tilespmem:$0x1FD00] =	vst v63  }
0x65: {  	s7 =	sadd.s32 $0x20, s7;
	s10 =	sadd.s32 @!p1 $0x50, s10;
	s13 =	rddreg [dreg:$0x4]  }
0x66: {  	[tilespmem:s12], [sflag:$0x6] =	stream.linear.gather @!p1 [hbm4b:s10+s11], $0x80, $0x38;
	[tilespmem:$0x1FD00] =	vst v63  }
0x67: {  	p1 =	sne.s32 s13, s7  }
.Ltmp0:
0x68: {  	_ = 	snop;
	(pc) =	sbr.rel @p1 .LBB2_2-.Ltmp0, $2  }
0x69: {  	_ =	sdelay $0x2  }
0x6a: {  	s5 =	sadd.s32 $0x2, s5;
	s10 =	sadd.s32 $0x100, s8  }
0x6b: {  	_ =	swait.ge [sflag:s1], $0x4000;
	s11 =	sadd.s32 $0x1, s5  }
0x6c: {  	[sflag:s1] =	ssyncset.done $0x0;
	p1 =	sge.u32 s11, s6  }
0x6d: {  	[sflag:s1] =	ssyncadd.s32 $0xFFFFC000;
	s11 =	simm.s32 @!p1 $0x6  }
0x6e: {  	_ =	swait.ge @!p1 [sflag:s11], $0x80  }
0x6f: {  	s12 =	simm.s32 @!p1 $0x1FC80;
	[sflag:s11] =	ssyncset.done @!p1 $0x0  }
0x70: {  	s13 =	simm.s32 @!p1 $0x18000;
	[sflag:s11] =	ssyncadd.s32 @!p1 $0xFFFFFF80;
	s11 =	simm.s32 @!p1 $0x80  }
0x71: {  	[tilespmem:s13], [sflag:$0x2] =	stream.indirect.gather @!p1 [hbm4b:s4+s11], $0x80, s12, s11, $0xb8;
	[tilespmem:$0x1FD00] =	vst v63  }
0x72: {  	_ =	swait.ge [sflag:s26], $0x4000  }
0x73: {  	[sflag:s26] =	ssyncset.done $0x0  }
0x74: {  	s8 =	sadd.s32 $0x80, s8;
	p1 =	slt.u32 s5, s16;
	[sflag:s26] =	ssyncadd.s32 $0xFFFFC000  }
0x75: {  	[spmem:s2] =	stream.indirect.scatter.add.f32 [tilespmem:s21], [sflag:$0x3], $0x80, s8, s20, $0xb8;
	[tilespmem:$0x1FD00] =	vst v63  }
0x76: {  	s8 =	sadd.s32 @p1 s7, s9  }
0x77: {  	s11 =	simm.s32 @p1 $0x0;
	s12 =	simm.s32 @p1 $0x1FC00;
	s8 =	sadd.s32 @p1 $0x40, s8  }
0x78: {  	[tilespmem:s12], [sflag:$0x5] =	stream.linear.gather @p1 [hbm4b:s8+s11], $0x80, $0x38;
	[tilespmem:$0x1FD00] =	vst v63  }
0x79: {  	s8 =	simm.s32 @p1 $0x3  }
0x7a: {  	_ =	swait.ge @p1 [sflag:s8], $0x4000  }
0x7b: {  	[sflag:s8] =	ssyncset.done @p1 $0x0  }
0x7c: {  	[sflag:s8] =	ssyncadd.s32 @p1 $0xFFFFC000;
	s8 =	simm.s32 @p1 $0x5  }
0x7d: {  	_ =	swait.ge @p1 [sflag:s8], $0x80  }
0x7e: {  	[sflag:s8] =	ssyncset.done @p1 $0x0  }
0x7f: {  	s11 =	simm.s32 @p1 $0x14000;
	[sflag:s8] =	ssyncadd.s32 @p1 $0xFFFFFF80;
	s8 =	simm.s32 @p1 $0x80  }
0x80: {  	[tilespmem:s11], [sflag:$0x1] =	stream.indirect.gather @p1 [hbm4b:s4+s8], $0x80, s12, s8, $0xb8;
	[tilespmem:$0x1FD00] =	vst v63  }
0x81: {  	s8 =	simm.s32 @!p1 $0x3  }
0x82: {  	_ =	swait.ge @!p1 [sflag:s8], $0x4000  }
0x83: {  	[sflag:s8] =	ssyncset.done @!p1 $0x0  }
0x84: {  	[sflag:s8] =	ssyncadd.s32 @!p1 $0xFFFFC000  }
0x85: {  	_ =	swait.ge [sflag:s0], $0x4000  }
0x86: {  	p1 =	sge.u32 s5, s17;
	[sflag:s0] =	ssyncset.done $0x0  }
0x87: {  	s5 =	sadd.s32 @!p1 s7, s9;
	[sflag:s0] =	ssyncadd.s32 $0xFFFFC000  }
0x88: {  	[spmem:s2] =	stream.indirect.scatter.add.f32 [tilespmem:s25], [sflag:$0x4], $0x80, s10, s20, $0xb8;
	[tilespmem:$0x1FD00] =	vst v63  }
0x89: {  	s7 =	simm.s32 @!p1 $0x0;
	s8 =	simm.s32 @!p1 $0x1FC80;
	s5 =	sadd.s32 @!p1 $0x50, s5  }
0x8a: {  	[tilespmem:s8], [sflag:$0x6] =	stream.linear.gather @!p1 [hbm4b:s5+s7], $0x80, $0x38;
	[tilespmem:$0x1FD00] =	vst v63  }
0x8b: {  	_ =	swait.ge [sflag:s1], $0x4000  }
0x8c: {  	[sflag:s1] =	ssyncset.done $0x0  }
0x8d: {  	[sflag:s1] =	ssyncadd.s32 $0xFFFFC000  }
0x8e: {  	[bflag:$0x0] =	sbarrier.arrive $0xFFFF  }
0x8f: {  	s13 =	rddreg [dreg:$0xa]  }
0x90: {  	[hbm:s13], [sflag:s23] =	dma.local [spmem:s31], $0x2800  }
0x91: {  	_ =	swait.ge [sflag:s19], $0x2800  }
0x92: {  	s28 =	sadd.s32 $0x1, s28;
	s31 =	rddreg [dreg:$0xb]  }
0x93: {  	p1 =	sne.s32 s28, s31  }
.Ltmp1:
0x94: {  	_ = 	snop;
	(pc) =	sbr.rel @p1 .LBB2_1-.Ltmp1, $3  }
0x95: {  	_ =	sdelay $0x1  }
0x96: {  	[sflag:s19] =	ssyncset.done $0x0  }
0x97: {  	[sflag:s19] =	ssyncadd.s32 $0xFFFFD800  }
0x98: {  	_ =	sfence.sel $0x180000  }
0x99: {  	[bflag:$0x0] =	sbarrier.arrive $0xFFFF  }
0x9a: {  	_ =	strace $0x9000004D  }
0x9b: {  	s0 =	stileid.u32;
	[bflag:$0x2] =	sbarrier.arrive $0xFFFF  }
0x9c: {  	p0 =	sne.s32 s0, $0x0;
	s0 =	rddreg [dreg:$0x3]  }
0x9d: {  	s0 =	sadd.s32 @!p0 $0x100000, s0  }
0x9e: {  	[sflag:s0] =	ssyncadd.tile.s32 @!p0 $0x1;
	_ =	shalt  }
.Lfunc_end2:
_tile_overlayer_lowered:
.L_overlay_start_2:
0x9f: {  	(tag) =	ssettag $0x2  }
0xa0: {  	s0 =	rddreg [dreg:$0x0];
	s2 =	stileid.u32  }
0xa1: {  	s1 =	rddreg [dreg:$0x1];
	p0 =	sne.s32 s2, $0x0  }
0xa2: {  	s3 =	rddreg [dreg:$0x2];
	[bflag:$0x3] =	sbarrier.arrive $0xFFFF;
	s2 =	simm.s32 @!p0 $0x1C07  }
0xa3: {  	[timem:s3], [sflag:s2] =	dma.local @!p0 [hbm:s0], s1  }
0xa4: {  	s0 =	simm.s32 @!p0 $0x7  }
0xa5: {  	_ =	swait.ge @!p0 [sflag:s0], s1  }
0xa6: {  	s1 =	ssub.s32 @!p0 $0x0, s1;
	[sflag:s0] =	ssyncset.done @!p0 $0x0  }
0xa7: {  	[sflag:s0] =	ssyncadd.s32 @!p0 s1  }
0xa8: {  	[bflag:$0x3] =	sbarrier.arrive $0xFFFF  }
0xa9: {  	_ =	shalt  }

// kernel: kernel.8.cloned.1.call-start
scs
__scs_entry_jumppad:
0x0: {  	(pc) =	sbr.rel $0x88, $3  }
0x1: {  	(tag) =	ssettag $0x0;
	lr =	simm.s32 $0x1  }
0x2: {  	[smem:$0x3F9B] =	sst lr;
	_ =	strace $0xD0000000  }
0x3: {  	_ = 	snop  }
0x4: {  	_ = 	snop  }
0x5: {  	_ = 	snop  }
0x6: {  	_ = 	snop  }
0x7: {  	_ = 	snop  }
__scs_overlays_trampoline_lowered:
0x8: {  	[smem:$0x3FAA] =	sst s0  }
0x9: {  	[smem:$0x3FAB] =	sst s1  }
0xa: {  	[smem:$0x3FAC] =	sst s2  }
0xb: {  	[smem:$0x3FAD] =	sst s3  }
0xc: {  	[smem:$0x3FAE] =	sst s4  }
0xd: {  	[smem:$0x3FAF] =	sst s5  }
0xe: {  	[smem:$0x3FB0] =	sst s6  }
0xf: {  	[smem:$0x3FB1] =	sst s7  }
0x10: {  	[smem:$0x3FB2] =	sst s8  }
0x11: {  	[smem:$0x3FB3] =	sst s9;
	s0 =	simm.s32 @!p0 $0x0  }
0x12: {  	s1 =	sld [smem:$0x3F99];
	s0 =	simm.s32 @p0 $0x1  }
0x13: {  	[smem:$0x3FB4] =	sst s0;
	s0 =	simm.s32 @!p1 $0x0  }
0x14: {  	s2 =	sld [smem:$0x3F98];
	s0 =	simm.s32 @p1 $0x1  }
0x15: {  	[smem:$0x3FB5] =	sst s0;
	s0 =	simm.s32 @!p2 $0x0  }
0x16: {  	s3 =	sld [smem:$0x3FDB];
	s0 =	simm.s32 @p2 $0x1  }
0x17: {  	s4 =	simm.s32 $0x1BF5;
	[smem:$0x3FB7] =	sst s0  }
0x18: {  	s0 =	sld [smem:$0x3F9A];
	_ =	swait.ge [sflag:s4], $0x0  }
0x19: {  	s7 =	sld [smem:$0x3F9B]  }
0x1a: {  	s8 =	sadd.s32 $0xFFFFE003, lr  }
0x1b: {  	s9 =	sadd.s32 $0xFFFFFEF7, lr;
	s5 =	simm.s32 $0xFFFFFFFF;
	p2 =	slt.u32 s8, $0xFFFFF086  }
0x1c: {  	p1 =	slt.u32 s9, $0xF7A;
	s5 =	simm.s32 @!p2 $0x0  }
0x1d: {  	s5 =	simm.s32 @p1 $0x1;
	p0 =	seq.s32 s7, s2  }
0x1e: {  	s7 =	smul.u32 @!p0 $0xF7A, s2;
	p2 =	seq.s32 @!p0 s5, $0x0  }
0x1f: {  	s9 =	smul.u32 $0xF7A, s1;
	s8 =	simm.s32 @!p0 $0x1BF5;
	p2 =	por !p2, p0  }
0x20: {  	[sflag:s8] =	ssyncset.s32 @!p0 $0xFFFFF086;
	s6 =	sadd.s32 @!p0 s3, s7;
	s7 =	simm.s32 @!p0 $0x108  }
0x21: {  	s3 =	sadd.s32 s3, s9;
	s6 =	sadd.s32 @!p0 $0x88, s6;
	s7 =	simm.s32 @p2 $0x1082  }
0x22: {  	[simem:s7], [sflag:s8] =	dma.local @!p0 [hbm:s6], $0xF7A  }
0x23: {  	s9 =	sor.u32 $0xD0000000, s2;
	s6 =	simm.s32 $0x108;
	_ =	swait.ge @!p0 [sflag:s8], $0x0  }
0x24: {  	s3 =	sadd.s32 $0x88, s3;
	s6 =	simm.s32 @!p1 $0x1082;
	[sflag:s4] =	ssyncset.s32 $0xFFFFF086  }
0x25: {  	[simem:s6], [sflag:s4] =	dma.local [hbm:s3], $0xF7A  }
0x26: {  	[smem:$0x3F9B] =	sst s1;
	(tag) =	ssettag s2;
	_ =	strace s9  }
0x27: {  	s1 =	sld [smem:$0x3FAB]  }
0x28: {  	s2 =	sld [smem:$0x3FAC]  }
0x29: {  	s4 =	sld [smem:$0x3FAE]  }
0x2a: {  	p0 =	seq.s32 s5, $0x0;
	s5 =	sld [smem:$0x3FAF]  }
0x2b: {  	s6 =	sld [smem:$0x3FB0]  }
0x2c: {  	s7 =	sld [smem:$0x3FB1]  }
0x2d: {  	s3 =	simm.s32 $0x108;
	s8 =	sld [smem:$0x3FB2]  }
0x2e: {  	s3 =	simm.s32 @!p0 $0x1082;
	s9 =	sld [smem:$0x3FB3]  }
0x2f: {  	lr =	sadd.s32 s0, s3;
	s0 =	sld [smem:$0x3FAA]  }
0x30: {  	s3 =	sld [smem:$0x3FAD]  }
0x31: {  	[smem:$0x3FB6] =	sst s10  }
0x32: {  	s10 =	sld [smem:$0x3FB4];
	_ =	sdelay $0x3  }
0x33: {  	p0 =	seq.s32 s10, $0x1;
	s10 =	sld [smem:$0x3FB6];
	_ =	sdelay $0x3  }
0x34: {  	[smem:$0x3FB6] =	sst s10  }
0x35: {  	s10 =	sld [smem:$0x3FB5];
	_ =	sdelay $0x3  }
0x36: {  	p1 =	seq.s32 s10, $0x1;
	s10 =	sld [smem:$0x3FB6];
	_ =	sdelay $0x3  }
0x37: {  	[smem:$0x3FB6] =	sst s10  }
0x38: {  	s10 =	sld [smem:$0x3FB7]  }
0x39: {  	_ = 	snop;
	(pc) =	sbr.ind lr, $3  }
0x3a: {  	_ = 	snop  }
0x3b: {  	_ = 	snop  }
0x3c: {  	p2 =	seq.s32 s10, $0x1;
	s10 =	sld [smem:$0x3FB6]  }
0x3d: {  	_ =	shalt  }
0x3e: {  	_ =	shalt  }
0x3f: {  	_ =	shalt  }
0x40: {  	_ =	shalt  }
0x41: {  	_ =	shalt  }
0x42: {  	_ =	shalt  }
0x43: {  	_ =	shalt  }
0x44: {  	_ =	shalt  }
0x45: {  	_ =	shalt  }
0x46: {  	_ =	shalt  }
0x47: {  	_ =	shalt  }
0x48: {  	_ =	shalt  }
0x49: {  	_ =	shalt  }
0x4a: {  	_ =	shalt  }
0x4b: {  	_ =	shalt  }
0x4c: {  	_ =	shalt  }
0x4d: {  	_ =	shalt  }
0x4e: {  	_ =	shalt  }
0x4f: {  	_ =	shalt  }
0x50: {  	_ =	shalt  }
0x51: {  	_ =	shalt  }
0x52: {  	_ =	shalt  }
0x53: {  	_ =	shalt  }
0x54: {  	_ =	shalt  }
0x55: {  	_ =	shalt  }
0x56: {  	_ =	shalt  }
0x57: {  	_ =	shalt  }
0x58: {  	_ =	shalt  }
0x59: {  	_ =	shalt  }
0x5a: {  	_ =	shalt  }
0x5b: {  	_ =	shalt  }
0x5c: {  	_ =	shalt  }
0x5d: {  	_ =	shalt  }
0x5e: {  	_ =	shalt  }
0x5f: {  	_ =	shalt  }
0x60: {  	_ =	shalt  }
0x61: {  	_ =	shalt  }
0x62: {  	_ =	shalt  }
0x63: {  	_ =	shalt  }
0x64: {  	_ =	shalt  }
0x65: {  	_ =	shalt  }
0x66: {  	_ =	shalt  }
0x67: {  	_ =	shalt  }
0x68: {  	_ =	shalt  }
0x69: {  	_ =	shalt  }
0x6a: {  	_ =	shalt  }
0x6b: {  	_ =	shalt  }
0x6c: {  	_ =	shalt  }
0x6d: {  	_ =	shalt  }
0x6e: {  	_ =	shalt  }
0x6f: {  	_ =	shalt  }
0x70: {  	_ =	shalt  }
0x71: {  	_ =	shalt  }
0x72: {  	_ =	shalt  }
0x73: {  	_ =	shalt  }
0x74: {  	_ =	shalt  }
0x75: {  	_ =	shalt  }
0x76: {  	_ =	shalt  }
0x77: {  	_ =	shalt  }
0x78: {  	_ =	shalt  }
0x79: {  	_ =	shalt  }
0x7a: {  	_ =	shalt  }
0x7b: {  	_ =	shalt  }
0x7c: {  	_ =	shalt  }
0x7d: {  	_ =	shalt  }
0x7e: {  	_ =	shalt  }
0x7f: {  	_ =	shalt  }
0x80: {  	_ =	shalt  }
0x81: {  	_ =	shalt  }
0x82: {  	_ =	shalt  }
0x83: {  	_ =	shalt  }
0x84: {  	_ =	shalt  }
0x85: {  	_ =	shalt  }
0x86: {  	_ =	shalt  }
0x87: {  	_ =	shalt  }
.Lfunc_end0:
.L_simem_size_0:
called_computation_lowered:
.L_overlay_start_0:
0x88: {  	s2 =	sld [smem:$0x3FD9]  }
0x89: {  	s3 =	sld [smem:$0x3FFE];
	_ =	sdelay $0x1  }
0x8a: {  	s1 =	srdreg.scid  }
0x8b: {  	s0 =	sand.u32 $0x1, s1  }
0x8c: {  	s17 =	sshll.u32 s0, $0xA;
	s2 =	sadd.s32 s3, s2  }
0x8d: {  	s2 =	sadd.s32 s2, s17  }
0x8e: {  	[smem:$0x3FC2] =	sst s2  }
0x8f: {  	_ = 	snop  }
0x90: {  	s2 =	sld [smem:$0x3FD0];
	(tm) =	ssettm $0x1  }
0x91: {  	s18 =	sld [smem:$0x3FFB];
	_ =	sdelay $0x3  }
0x92: {  	_ =	strace s18  }
0x93: {  	s3 =	sld [smem:$0x3FFC];
	_ =	sdelay $0x3  }
0x94: {  	_ =	strace s3  }
0x95: {  	s3 =	sld [smem:$0x3FFD];
	_ =	sdelay $0x3  }
0x96: {  	_ =	strace s3  }
0x97: {  	_ =	strace $0x8FFFFFFF  }
0x98: {  	s19 =	sld [smem:$0x3FDB];
	_ =	sdelay $0x1  }
0x99: {  	s4 =	simm.s32 $_scs_section_size  }
0x9a: {  	s5 =	simm.s32 $_size__tile_overlayer_lowered;
	s6 =	simm.s32 $_tile_overlayer_lowered  }
0x9b: {  	s22 =	simm.s32 $0x1BFF;
	s21 =	sshll.u32 s6, $0x1;
	s3 =	sadd.s32 s4, s19  }
0x9c: {  	s7 =	simm.s32 $0x0;
	s20 =	sshll.u32 s5, $0x1;
	s5 =	sadd.s32 s21, s3  }
0x9d: {  	[timem:s7], [sflag:s22] =	dma.local [hbm:s5], s20  }
0x9e: {  	_ =	swait.ge [sflag:s22], s20  }
0x9f: {  	s4 =	ssub.s32 $0x0, s20;
	[sflag:s22] =	ssyncset.done $0x0  }
0xa0: {  	[sflag:s22] =	ssyncadd.s32 s4;
	_ =	sdelay $0x1  }
0xa1: {  	s23 =	simm.s32 $0x1B8B  }
0xa2: {  	_ =	swait.ge [sflag:s23], $0x1  }
0xa3: {  	[sflag:s23] =	ssyncset.done $0x0  }
0xa4: {  	s25 =	simm.s32 $0x1B8E;
	s24 =	sld [smem:$0x3FFE];
	[sflag:s23] =	ssyncadd.s32 $0xFFFFFFFF  }
0xa5: {  	s26 =	simm.s32 $execute0_lowered;
	[smem:$0x3FD2] =	sst s25  }
0xa6: {  	s5 =	sshll.u32 s26, $0x1;
	_ =	strace $0x80000046;
	[dreg:$0x1] =	wrdreg $0xFFFFFFFF  }
0xa7: {  	s28 =	simm.s32 $_size_execute0_lowered;
	s3 =	sadd.s32 s3, s5;
	[dreg:$0x0] =	wrdreg $0x0  }
0xa8: {  	s5 =	sshll.u32 s28, $0x1;
	[dreg:$0x2] =	wrdreg s3  }
0xa9: {  	[dreg:$0x3] =	wrdreg s5  }
0xaa: {  	[dreg:$0x4] =	wrdreg $0xC0  }
0xab: {  	_ =	task [dreg:s7], $0x5FFFF  }
0xac: {  	[dreg:$0x1] =	wrdreg $0xFFFFFFFF  }
0xad: {  	[dreg:$0x0] =	wrdreg $0x60  }
0xae: {  	[dreg:$0x2] =	wrdreg s24  }
0xaf: {  	[dreg:$0x3] =	wrdreg s2  }
0xb0: {  	[dreg:$0x4] =	wrdreg $0x0  }
0xb1: {  	[dreg:$0x5] =	wrdreg $0x9  }
0xb2: {  	_ =	task.clear_ibuf [dreg:s7], $0x6FFFF;
	_ =	strace $0x90000046  }
0xb3: {  	s29 =	simm.s32 $0x9;
	_ =	strace $0x80000048  }
0xb4: {  	_ =	swait.ge [sflag:s29], $0x1  }
0xb5: {  	[sflag:s29] =	ssyncadd.s32 $0xFFFFFFFF  }
0xb6: {  	_ =	strace $0x90000048  }
0xb7: {  	_ =	sfence  }
0xb8: {  	s30 =	sld [smem:$0x0];
	_ =	sdelay $0x2  }
0xb9: {  	s31 =	sshll.u32 s1, $0xD;
	s1 =	sshrl.u32 s1, $0x2  }
0xba: {  	s3 =	sand.u32 $0x4000, s31;
	s1 =	sadd.s32 s1, s30  }
0xbb: {  	s0 =	sor.u32 s3, s0;
	s1 =	sshll.u32 s1, $0x11  }
0xbc: {  	s0 =	sor.u32 s1, s0  }
0xbd: {  	s0 =	sadd.s32 $0x8F2B, s0  }
0xbe: {  	[sflag:s0] =	ssyncadd.remote.s32 $0x1  }
0xbf: {  	_ =	sfence.sel $0xFFFF  }
0xc0: {  	[dreg:$0x0] =	wrdreg $0xFFFFFFFF;
	(pc) =	sbr.abs _section_cstart, $3  }
0xc1: {  	[dreg:$0x1] =	wrdreg $0xFFFFFFFF  }
0xc2: {  	_ =	task.clear_ibuf [dreg:s7], $0x2FFFF;
	_ =	strace $0x9FFFFFFF  }
0xc3: {  	(tm) =	ssettm $0x7FFFFFFF  }
tec
execute0_lowered:
.L_overlay_start_1:
0x0: {  	(tag) =	ssettag $0x1  }
0x1: {  	s6 =	rddreg [dreg:$0x0]  }
0x2: {  	s7 =	rddreg [dreg:$0x1]  }
0x3: {  	s0 =	srdreg.scid;
	s2 =	rddreg [dreg:$0x2];
	s3 =	simm.s32 $0x0  }
0x4: {  	s14 =	simm.s32 $0x1A800;
	s17 =	simm.s32 $0x80;
	s5 =	sand.u32 $0x1, s0  }
0x5: {  	s18 =	simm.s32 $0x0;
	s0 =	stileid.u32;
	s9 =	smul.u32 $0x140000, s5  }
0x6: {  	[smem:$0x7FF] =	sst s3;
	s4 =	sadd.s32 $0xCA00, s6;
	s10 =	smul.u32 $0x14000, s0  }
0x7: {  	s1 =	sshll.u32 s5, $0x4;
	s31 =	ssub.s32 $0x2, s5;
	s12 =	smul.u32 $0x50000, s0  }
0x8: {  	s5 =	sadd.s32 $0xC200, s6;
	s15 =	sshll.u32 s0, $0x6;
	s1 =	sor.u32 s0, s1  }
0x9: {  	s13 =	sshrl.u32 s31, $0x1;
	s15 =	sor.u32 $0x1C01, s15;
	s8 =	smul.u32 $0x500, s1  }
0xa: {  	s1 =	rddreg [dreg:$0x3];
	_ =	strace $0x80000047;
	s9 =	sadd.s32 s10, s9  }
0xb: {  	s10 =	ssub.s32 s31, s13;
	s12 =	sshrl.u32 s12, $0x2;
	s13 =	simm.s32 $0x18000  }
0xc: {  	s9 =	sshrl.u32 s9, $0x3;
	s16 =	sadd.s32 s12, s2;
	s10 =	smax.u32 s10, $0x1  }
0xd: {  	s12 =	simm.s32 $0x1;
	s11 =	sadd.s32 s8, s6;
	s9 =	sadd.s32 s9, s6  }
0xe: {  	s7 =	sadd.s32 s7, s8;
	s16 =	sshrl.u32 s16, $0x3;
	s6 =	sadd.s32 $0x2200, s11  }
0xf: {  	s8 =	sadd.s32 $0xF200, s9;
	s9 =	sadd.s32 $0x5F200, s9;
	s11 =	simm.s32 $0x14000  }
.LBB2_1:
0x10: {  	[tilespmem:s11], [sflag:$0x1] =	stream.linear.gather [hbm4b:s5+s3], $0x4000, $0x38;
	[tilespmem:$0x1D000] =	vst v63  }
0x11: {  	_ =	swait.ge [sflag:s12], $0x4000  }
0x12: {  	[sflag:s12] =	ssyncset.done $0x0  }
0x13: {  	[sflag:s12] =	ssyncadd.s32 $0xFFFFC000  }
0x14: {  	[tilespmem:s13], [sflag:$0x1] =	stream.linear.gather [hbm4b:s6+s3], $0x2800, $0x38;
	[tilespmem:$0x1D000] =	vst v63  }
0x15: {  	_ =	swait.ge [sflag:s12], $0x2800  }
0x16: {  	[sflag:s12] =	ssyncset.done $0x0  }
0x17: {  	[sflag:s12] =	ssyncadd.s32 $0xFFFFD800  }
0x18: {  	[tilespmem:s14], [sflag:$0x1] =	stream.linear.gather [hbm4b:s7+s3], $0x2800, $0x38;
	[tilespmem:$0x1D000] =	vst v63  }
0x19: {  	_ =	swait.ge [sflag:s12], $0x2800  }
0x1a: {  	[sflag:s12] =	ssyncset.done $0x0  }
0x1b: {  	[sflag:s12] =	ssyncadd.s32 $0xFFFFD800  }
0x1c: {  	[spmem:s16], [sflag:s15] =	dma.local [hbm:s4], $0x2800  }
0x1d: {  	_ =	swait.ge [sflag:s12], $0x2800  }
0x1e: {  	[sflag:s12] =	ssyncset.done $0x0  }
0x1f: {  	[sflag:s12] =	ssyncadd.s32 $0xFFFFD800  }
0x20: {  	s19 =	simm.s32 $0x18000;
	[bflag:$0x0] =	sbarrier.arrive $0xFFFF  }
0x21: {  	[spmem:s2] =	stream.indirect.scatter.add.f32 [tilespmem:s11], [sflag:$0x1], $0x80, s19, s17, $0xb8;
	[tilespmem:$0x1D000] =	vst v63  }
0x22: {  	s19 =	simm.s32 $0x200;
	_ =	swait.ge [sflag:s12], $0x4000  }
.LBB2_2:
0x23: {  	s20 =	sshra.s32 s19, $0x2;
	[sflag:s12] =	ssyncset.done $0x0;
	p0 =	sne.s32 s19, $0x9E00  }
.Ltmp0:
0x24: {  	s20 =	sadd.s32 $0x18000, s20;
	[sflag:s12] =	ssyncadd.s32 $0xFFFFC000;
	(pc) =	sbr.rel @p0 .LBB2_2-.Ltmp0, $3  }
0x25: {  	[spmem:s2] =	stream.indirect.scatter.add.f32 [tilespmem:s11], [sflag:$0x1], $0x80, s20, s17, $0xb8;
	[tilespmem:$0x1D000] =	vst v63  }
0x26: {  	s19 =	sadd.s32 $0x200, s19;
	_ =	sdelay $0x1  }
0x27: {  	_ =	swait.ge [sflag:s12], $0x4000  }
0x28: {  	[sflag:s12] =	ssyncset.done $0x0  }
0x29: {  	[sflag:s12] =	ssyncadd.s32 $0xFFFFC000  }
0x2a: {  	[bflag:$0x0] =	sbarrier.arrive $0xFFFF  }
0x2b: {  	[hbm:s8], [sflag:s15] =	dma.local [spmem:s16], $0x2800  }
0x2c: {  	_ =	swait.ge [sflag:s12], $0x2800  }
0x2d: {  	[sflag:s12] =	ssyncset.done $0x0  }
0x2e: {  	[sflag:s12] =	ssyncadd.s32 $0xFFFFD800  }
0x2f: {  	[spmem:s16], [sflag:s15] =	dma.local [hbm:s4], $0x2800  }
0x30: {  	_ =	swait.ge [sflag:s12], $0x2800  }
0x31: {  	[sflag:s12] =	ssyncset.done $0x0  }
0x32: {  	[sflag:s12] =	ssyncadd.s32 $0xFFFFD800  }
0x33: {  	s19 =	simm.s32 $0x1A800;
	[bflag:$0x0] =	sbarrier.arrive $0xFFFF  }
0x34: {  	[spmem:s2] =	stream.indirect.scatter.add.f32 [tilespmem:s11], [sflag:$0x1], $0x80, s19, s17, $0xb8;
	[tilespmem:$0x1D000] =	vst v63  }
0x35: {  	s19 =	simm.s32 $0x200;
	_ =	swait.ge [sflag:s12], $0x4000  }
.LBB2_4:
0x36: {  	s20 =	sshra.s32 s19, $0x2;
	[sflag:s12] =	ssyncset.done $0x0;
	p0 =	sne.s32 s19, $0x9E00  }
.Ltmp1:
0x37: {  	s20 =	sadd.s32 $0x1A800, s20;
	[sflag:s12] =	ssyncadd.s32 $0xFFFFC000;
	(pc) =	sbr.rel @p0 .LBB2_4-.Ltmp1, $3  }
0x38: {  	[spmem:s2] =	stream.indirect.scatter.add.f32 [tilespmem:s11], [sflag:$0x1], $0x80, s20, s17, $0xb8;
	[tilespmem:$0x1D000] =	vst v63  }
0x39: {  	s19 =	sadd.s32 $0x200, s19;
	_ =	sdelay $0x1  }
0x3a: {  	_ =	swait.ge [sflag:s12], $0x4000  }
0x3b: {  	[sflag:s12] =	ssyncset.done $0x0;
	s18 =	sadd.s32 $0x1, s18  }
0x3c: {  	[sflag:s12] =	ssyncadd.s32 $0xFFFFC000;
	p0 =	sne.s32 s18, s10  }
.Ltmp2:
0x3d: {  	[bflag:$0x0] =	sbarrier.arrive $0xFFFF;
	(pc) =	sbr.rel @p0 .LBB2_1-.Ltmp2, $4  }
0x3e: {  	[hbm:s9], [sflag:s15] =	dma.local [spmem:s16], $0x2800  }
0x3f: {  	_ =	swait.ge [sflag:s12], $0x2800  }
0x40: {  	[sflag:s12] =	ssyncset.done $0x0  }
0x41: {  	[sflag:s12] =	ssyncadd.s32 $0xFFFFD800  }
0x42: {  	_ =	sfence.sel $0x180000  }
0x43: {  	[bflag:$0x0] =	sbarrier.arrive $0xFFFF  }
0x44: {  	p0 =	sne.s32 s0, $0x0;
	_ =	strace $0x90000047  }
0x45: {  	s0 =	sadd.s32 @!p0 $0x100000, s1;
	[bflag:$0x2] =	sbarrier.arrive $0xFFFF  }
0x46: {  	[sflag:s0] =	ssyncadd.tile.s32 @!p0 $0x1;
	_ =	shalt  }
.Lfunc_end2:
_tile_overlayer_lowered:
.L_overlay_start_2:
0x47: {  	(tag) =	ssettag $0x2  }
0x48: {  	s0 =	rddreg [dreg:$0x0];
	s2 =	stileid.u32  }
0x49: {  	s1 =	rddreg [dreg:$0x1];
	p0 =	sne.s32 s2, $0x0  }
0x4a: {  	s3 =	rddreg [dreg:$0x2];
	[bflag:$0x3] =	sbarrier.arrive $0xFFFF;
	s2 =	simm.s32 @!p0 $0x1C01  }
0x4b: {  	[timem:s3], [sflag:s2] =	dma.local @!p0 [hbm:s0], s1  }
0x4c: {  	s0 =	simm.s32 @!p0 $0x1  }
0x4d: {  	_ =	swait.ge @!p0 [sflag:s0], s1  }
0x4e: {  	s1 =	ssub.s32 @!p0 $0x0, s1;
	[sflag:s0] =	ssyncset.done @!p0 $0x0  }
0x4f: {  	[sflag:s0] =	ssyncadd.s32 @!p0 s1  }
0x50: {  	[bflag:$0x3] =	sbarrier.arrive $0xFFFF  }
0x51: {  	_ =	shalt  }

</sc_bundles>
